<compile_context>
chip_gen: v7x
topology: tpu7x:2x2x1
jax: 0.10.2.dev20260603
libtpu: 0.0.44.dev20260713+nightly
codegen_flags: <defaults>
</compile_context>

<pallas_src>
import functools

import jax
import jax.numpy as jnp
from jax import lax
from jax.experimental import pallas as pl
from jax.experimental.pallas import tpu as pltpu
from jax.experimental.pallas import tpu_sc as plsc

_N_NODES = 10000
_N_EDGES = 320000
_DIM = 128

_NSUB = 16
_NCORE = 2
_NPAD = 10240
_STRIPE = _NPAD // _NSUB
_EHIST = _N_EDGES // _NSUB
_EGATH = _N_EDGES // (_NSUB * _NCORE)


def _sc_weights(target):
    mesh = plsc.VectorSubcoreMesh(core_axis_name="c", subcore_axis_name="s")

    @functools.partial(
        pl.kernel,
        mesh=mesh,
        out_type=jax.ShapeDtypeStruct((_N_EDGES,), jnp.float32),
        scratch_types=[
            pltpu.VMEM((_EHIST,), jnp.int32),
            pltpu.VMEM((_EHIST,), jnp.float32),
            pltpu.VMEM((_STRIPE,), jnp.float32),
            pltpu.VMEM((_EGATH,), jnp.float32),
            pltpu.VMEM_SHARED((_NPAD,), jnp.float32),
            pltpu.SemaphoreType.DMA,
        ],
    )
    def body(target_hbm, ones_hbm, w_hbm, tv, ones, stripe, wout, sh_hist, sem):
        s = lax.axis_index("s")
        c = lax.axis_index("c")

        pltpu.sync_copy(target_hbm.at[pl.ds(s * _EHIST, _EHIST)], tv)
        pltpu.sync_copy(ones_hbm, ones)
        zeros16 = jnp.zeros((16,), jnp.float32)

        def zero_body(i, carry):
            stripe[pl.ds(i * 16, 16)] = zeros16
            return carry

        lax.fori_loop(0, _STRIPE // 16, zero_body, 0)

        pltpu.sync_copy(stripe, sh_hist.at[pl.ds(s * _STRIPE, _STRIPE)])
        plsc.subcore_barrier()

        pltpu.sync_copy(ones, sh_hist.at[tv], add=True)
        plsc.subcore_barrier()

        pltpu.sync_copy(sh_hist.at[pl.ds(s * _STRIPE, _STRIPE)], stripe)

        def inv_body(i, carry):
            lanes = pl.ds(i * 16, 16)
            stripe[lanes] = 1.0 / stripe[lanes]
            return carry

        lax.fori_loop(0, _STRIPE // 16, inv_body, 0)
        pltpu.sync_copy(stripe, sh_hist.at[pl.ds(s * _STRIPE, _STRIPE)])
        plsc.subcore_barrier()

        base = s * _EHIST + c * _EGATH
        pltpu.async_copy(
            sh_hist.at[tv.at[pl.ds(c * _EGATH, _EGATH)]], wout, sem
        ).wait()
        pltpu.sync_copy(wout, w_hbm.at[pl.ds(base, _EGATH)])

    return body(target, jnp.ones((_EHIST,), jnp.float32))


_ROWS_PER_BLOCK = 6400
_WR = _ROWS_PER_BLOCK // 128
_NBLK = _N_EDGES // _ROWS_PER_BLOCK


def _scale_body(m_ref, w_ref, o_ref):
    ones = jnp.ones((1, 128), jnp.float32)
    w = w_ref[0]
    for g in range(_WR):
        bcast = lax.dot_general(
            w[g : g + 1, :],
            ones,
            (((0,), (0,)), ((), ())),
            preferred_element_type=jnp.float32,
        )
        rows = pl.ds(g * 128, 128)
        o_ref[rows, :] = m_ref[rows, :] * bcast


def kernel(source, target, message):
    del source
    weight = _sc_weights(target.astype(jnp.int32))
    w3d = weight.reshape(_NBLK, _WR, 128)
    return pl.pallas_call(
        _scale_body,
        grid=(_NBLK,),
        in_specs=[
            pl.BlockSpec((_ROWS_PER_BLOCK, _DIM), lambda i: (i, 0)),
            pl.BlockSpec((1, _WR, 128), lambda i: (i, 0, 0)),
        ],
        out_specs=pl.BlockSpec((_ROWS_PER_BLOCK, _DIM), lambda i: (i, 0)),
        out_shape=jax.ShapeDtypeStruct((_N_EDGES, _DIM), jnp.float32),
    )(message, w3d)

# --- scband reference (transcript-rebuilt; emitter-appended) ---
"""Pipeline reference for scband-inverse-in-degree-edge-weighting-89386859364991 (READ-ONLY COPY).

The authoritative reference and input builder live on the scoring server;
editing this copy changes nothing except your own understanding.
"""

import jax, jax.numpy as jnp
import numpy as np

N_NODES = 10000
N_EDGES = 320000
DIM = 128


def setup_inputs(seed: int = 0) -> dict:
    key = jax.random.key(seed)
    k1, k2, k3 = jax.random.split(key, 3)
    source = jax.random.randint(k1, (N_EDGES,), 0, N_NODES, dtype=jnp.int64) if jax.config.jax_enable_x64 else jax.random.randint(k1, (N_EDGES,), 0, N_NODES).astype(jnp.int32)
    target = jax.random.randint(k2, (N_EDGES,), 0, N_NODES).astype(source.dtype)
    message = jax.random.normal(k3, (N_EDGES, DIM), dtype=jnp.float32)
    return {"source": source, "target": target, "message": message}


def reference(source, target, message):
    # torch: inv, cnt = torch.unique(target, return_counts=True, return_inverse=True)[1:]
    #        weight = cnt[inv].float().reciprocal()
    # Equivalent: per-edge count of its target value == bincount(target)[target]
    cnt = jnp.bincount(target, length=N_NODES)
    weight = 1.0 / cnt[target].astype(jnp.float32)
    # message is not None branch
    return message * weight[:, None]

if __name__ == "__main__":
    import jax
    _d = setup_inputs()
    print(jax.jit(kernel)(*tuple(_d.values())))

</pallas_src>

<mosaic_0001>
#map = affine_map<(d0, d1) -> (0)>
module attributes {stable_mosaic.version = 14 : i64} {
  func.func @body(%arg0: i32, %arg1: i32, %arg2: memref<320000xi32, #tpu.memory_space<hbm>>, %arg3: memref<20000xf32, #tpu.memory_space<hbm>>, %arg4: memref<320000xf32, #tpu.memory_space<hbm>>, %arg5: memref<20000xi32, #tpu.memory_space<vmem>>, %arg6: memref<20000xf32, #tpu.memory_space<vmem>>, %arg7: memref<640xf32, #tpu.memory_space<vmem>>, %arg8: memref<10000xf32, #tpu.memory_space<vmem>>, %arg9: memref<10240xf32, #tpu.memory_space<vmem_shared>>, %arg10: memref<!tpu.dma_semaphore, #tpu.memory_space<semaphore_mem>>) attributes {dimension_semantics = [#tpu.dimension_semantics<core_parallel>, #tpu.dimension_semantics<subcore_parallel>], iteration_bounds = array<i64: 2, 16>, scalar_prefetch = 0 : i64, scratch_operands = 6 : i64, tpu.core_type = #tpu.core_type<sc_vector_subcore>, window_params = [{transform_indices = #map}, {transform_indices = #map}, {transform_indices = #map}]} {
    %mul3A = arith.constant 20000 : i32
    %mul3A_0 = arith.muli %arg1, %mul3A : i32
    "tpu.region"() ({
      %run_scoped3A = tpu.sem_alloc : memref<!tpu.dma_semaphore, #tpu.memory_space<semaphore_mem>>
      %dma_start3A_31 = tpu.memref_slice %arg2[%mul3A_0] : memref<320000xi32, #tpu.memory_space<hbm>> -> memref<20000xi32, #tpu.memory_space<hbm>>
      %dma_start3A_32 = tpu.memref_slice %arg2[%mul3A_0] : memref<320000xi32, #tpu.memory_space<hbm>> -> memref<20000xi32, #tpu.memory_space<hbm>>
      tpu.enqueue_dma source(%dma_start3A_32 : memref<20000xi32, #tpu.memory_space<hbm>>) target(%arg5 : memref<20000xi32, #tpu.memory_space<vmem>>) target_semaphore(%run_scoped3A : memref<!tpu.dma_semaphore, #tpu.memory_space<semaphore_mem>>)
      %dma_wait3A_33 = tpu.memref_slice %arg2[%mul3A_0] : memref<320000xi32, #tpu.memory_space<hbm>> -> memref<20000xi32, #tpu.memory_space<hbm>>
      %dma_wait3A_34 = tpu.memref_slice %arg2[%mul3A_0] : memref<320000xi32, #tpu.memory_space<hbm>> -> memref<20000xi32, #tpu.memory_space<hbm>>
      tpu.wait_dma2 semaphore(%run_scoped3A : memref<!tpu.dma_semaphore, #tpu.memory_space<semaphore_mem>>) src(%dma_wait3A_34 : memref<20000xi32, #tpu.memory_space<hbm>>) dst(%arg5 : memref<20000xi32, #tpu.memory_space<vmem>>)
      tpu.yield
    }) : () -> ()
    "tpu.region"() ({
      %run_scoped3A = tpu.sem_alloc : memref<!tpu.dma_semaphore, #tpu.memory_space<semaphore_mem>>
      tpu.enqueue_dma source(%arg3 : memref<20000xf32, #tpu.memory_space<hbm>>) target(%arg6 : memref<20000xf32, #tpu.memory_space<vmem>>) target_semaphore(%run_scoped3A : memref<!tpu.dma_semaphore, #tpu.memory_space<semaphore_mem>>)
      tpu.wait_dma2 semaphore(%run_scoped3A : memref<!tpu.dma_semaphore, #tpu.memory_space<semaphore_mem>>) src(%arg3 : memref<20000xf32, #tpu.memory_space<hbm>>) dst(%arg6 : memref<20000xf32, #tpu.memory_space<vmem>>)
      tpu.yield
    }) : () -> ()
    %broadcast_in_dim3A = arith.constant 0.000000e+00 : f32
    %broadcast_in_dim3A_1 = vector.broadcast %broadcast_in_dim3A : f32 to vector<16xf32>
    %scan3A = arith.constant 0 : i32
    %scan3A_2 = arith.constant 0 : i32
    %scan3A_3 = arith.constant 40 : i32
    %scan3A_4 = arith.addi %scan3A_2, %scan3A_3 : i32
    %scan3A_5 = arith.constant 1 : i32
    scf.for %scan3A_31 = %scan3A_2 to %scan3A_4 step %scan3A_5  : i32 {
      %mul3A_32 = arith.constant 16 : i32
      %mul3A_33 = arith.muli %scan3A_31, %mul3A_32 : i32
      %swap3A = arith.index_cast %mul3A_33 : i32 to index
      %swap3A_34 = tpu.vector_load %arg7[%swap3A] {strides = array<i32>} : memref<640xf32, #tpu.memory_space<vmem>>, vector<16xf32>,
      %swap3A_35 = vector.shape_cast %swap3A_34 : vector<16xf32> to vector<16xf32>
      %swap3A_36 = vector.shape_cast %broadcast_in_dim3A_1 : vector<16xf32> to vector<16xf32>
      tpu.vector_store %arg7[%swap3A], %swap3A_36 {strides = array<i32>} : memref<640xf32, #tpu.memory_space<vmem>>, vector<16xf32>,
    }
    %scan3A_6 = arith.constant 40 : i32
    %mul3A_7 = arith.constant 640 : i32
    %mul3A_8 = arith.muli %arg1, %mul3A_7 : i32
    "tpu.region"() ({
      %run_scoped3A = tpu.sem_alloc : memref<!tpu.dma_semaphore, #tpu.memory_space<semaphore_mem>>
      %dma_start3A_31 = tpu.memref_slice %arg9[%mul3A_8] : memref<10240xf32, #tpu.memory_space<vmem_shared>> -> memref<640xf32, #tpu.memory_space<vmem_shared>>
      %dma_start3A_32 = tpu.memref_slice %arg9[%mul3A_8] : memref<10240xf32, #tpu.memory_space<vmem_shared>> -> memref<640xf32, #tpu.memory_space<vmem_shared>>
      tpu.enqueue_dma source(%arg7 : memref<640xf32, #tpu.memory_space<vmem>>) target(%dma_start3A_32 : memref<640xf32, #tpu.memory_space<vmem_shared>>) target_semaphore(%run_scoped3A : memref<!tpu.dma_semaphore, #tpu.memory_space<semaphore_mem>>)
      %dma_wait3A_33 = tpu.memref_slice %arg9[%mul3A_8] : memref<10240xf32, #tpu.memory_space<vmem_shared>> -> memref<640xf32, #tpu.memory_space<vmem_shared>>
      %dma_wait3A_34 = tpu.memref_slice %arg9[%mul3A_8] : memref<10240xf32, #tpu.memory_space<vmem_shared>> -> memref<640xf32, #tpu.memory_space<vmem_shared>>
      tpu.wait_dma2 semaphore(%run_scoped3A : memref<!tpu.dma_semaphore, #tpu.memory_space<semaphore_mem>>) src(%arg7 : memref<640xf32, #tpu.memory_space<vmem>>) dst(%dma_wait3A_34 : memref<640xf32, #tpu.memory_space<vmem_shared>>)
      tpu.yield
    }) : () -> ()
    %barrier3A = arith.constant 0 : index
    tpu.barrier barrier_id(%barrier3A)
    "tpu.region"() ({
      %run_scoped3A = tpu.sem_alloc : memref<!tpu.dma_semaphore, #tpu.memory_space<semaphore_mem>>
      %dma_start3A_31 = arith.constant 0 : i32
      %dma_start3A_32 = tpu.memref_slice %arg9[%dma_start3A_31] : memref<10240xf32, #tpu.memory_space<vmem_shared>> -> memref<10240xf32, #tpu.memory_space<vmem_shared>>
      tpu.enqueue_indirect_dma source(%arg6 : memref<20000xf32, #tpu.memory_space<vmem>>) target(%dma_start3A_32 : memref<10240xf32, #tpu.memory_space<vmem_shared>>) offsets(%arg5 : memref<20000xi32, #tpu.memory_space<vmem>>) semaphore(%run_scoped3A : memref<!tpu.dma_semaphore, #tpu.memory_space<semaphore_mem>>) {add = true}
      %dma_wait3A_33 = arith.constant 0 : i32
      %dma_wait3A_34 = tpu.memref_slice %arg9[%dma_wait3A_33] : memref<10240xf32, #tpu.memory_space<vmem_shared>> -> memref<10240xf32, #tpu.memory_space<vmem_shared>>
      tpu.wait_indirect_dma semaphore(%run_scoped3A : memref<!tpu.dma_semaphore, #tpu.memory_space<semaphore_mem>>) src(%arg6 : memref<20000xf32, #tpu.memory_space<vmem>>) dst(%dma_wait3A_34 : memref<10240xf32, #tpu.memory_space<vmem_shared>>)
      tpu.yield
    }) : () -> ()
    %barrier3A_9 = arith.constant 0 : index
    tpu.barrier barrier_id(%barrier3A_9)
    %mul3A_10 = arith.constant 640 : i32
    %mul3A_11 = arith.muli %arg1, %mul3A_10 : i32
    "tpu.region"() ({
      %run_scoped3A = tpu.sem_alloc : memref<!tpu.dma_semaphore, #tpu.memory_space<semaphore_mem>>
      %dma_start3A_31 = tpu.memref_slice %arg9[%mul3A_11] : memref<10240xf32, #tpu.memory_space<vmem_shared>> -> memref<640xf32, #tpu.memory_space<vmem_shared>>
      %dma_start3A_32 = tpu.memref_slice %arg9[%mul3A_11] : memref<10240xf32, #tpu.memory_space<vmem_shared>> -> memref<640xf32, #tpu.memory_space<vmem_shared>>
      tpu.enqueue_dma source(%dma_start3A_32 : memref<640xf32, #tpu.memory_space<vmem_shared>>) target(%arg7 : memref<640xf32, #tpu.memory_space<vmem>>) target_semaphore(%run_scoped3A : memref<!tpu.dma_semaphore, #tpu.memory_space<semaphore_mem>>)
      %dma_wait3A_33 = tpu.memref_slice %arg9[%mul3A_11] : memref<10240xf32, #tpu.memory_space<vmem_shared>> -> memref<640xf32, #tpu.memory_space<vmem_shared>>
      %dma_wait3A_34 = tpu.memref_slice %arg9[%mul3A_11] : memref<10240xf32, #tpu.memory_space<vmem_shared>> -> memref<640xf32, #tpu.memory_space<vmem_shared>>
      tpu.wait_dma2 semaphore(%run_scoped3A : memref<!tpu.dma_semaphore, #tpu.memory_space<semaphore_mem>>) src(%dma_wait3A_34 : memref<640xf32, #tpu.memory_space<vmem_shared>>) dst(%arg7 : memref<640xf32, #tpu.memory_space<vmem>>)
      tpu.yield
    }) : () -> ()
    %scan3A_12 = arith.constant 0 : i32
    %scan3A_13 = arith.constant 0 : i32
    %scan3A_14 = arith.constant 40 : i32
    %scan3A_15 = arith.addi %scan3A_13, %scan3A_14 : i32
    %scan3A_16 = arith.constant 1 : i32
    scf.for %scan3A_31 = %scan3A_13 to %scan3A_15 step %scan3A_16  : i32 {
      %mul3A_32 = arith.constant 16 : i32
      %mul3A_33 = arith.muli %scan3A_31, %mul3A_32 : i32
      %get3A = arith.index_cast %mul3A_33 : i32 to index
      %get3A_34 = tpu.vector_load %arg7[%get3A] {strides = array<i32>} : memref<640xf32, #tpu.memory_space<vmem>>, vector<16xf32>,
      %get3A_35 = vector.shape_cast %get3A_34 : vector<16xf32> to vector<16xf32>
      %div3A = arith.constant 1.000000e+00 : f32
      %div3A_36 = vector.broadcast %div3A : f32 to vector<16xf32>
      %div3A_37 = arith.divf %div3A_36, %get3A_35 : vector<16xf32>
      %swap3A = arith.index_cast %mul3A_33 : i32 to index
      %swap3A_38 = tpu.vector_load %arg7[%swap3A] {strides = array<i32>} : memref<640xf32, #tpu.memory_space<vmem>>, vector<16xf32>,
      %swap3A_39 = vector.shape_cast %swap3A_38 : vector<16xf32> to vector<16xf32>
      %swap3A_40 = vector.shape_cast %div3A_37 : vector<16xf32> to vector<16xf32>
      tpu.vector_store %arg7[%swap3A], %swap3A_40 {strides = array<i32>} : memref<640xf32, #tpu.memory_space<vmem>>, vector<16xf32>,
    }
    %scan3A_17 = arith.constant 40 : i32
    %mul3A_18 = arith.constant 640 : i32
    %mul3A_19 = arith.muli %arg1, %mul3A_18 : i32
    "tpu.region"() ({
      %run_scoped3A = tpu.sem_alloc : memref<!tpu.dma_semaphore, #tpu.memory_space<semaphore_mem>>
      %dma_start3A_31 = tpu.memref_slice %arg9[%mul3A_19] : memref<10240xf32, #tpu.memory_space<vmem_shared>> -> memref<640xf32, #tpu.memory_space<vmem_shared>>
      %dma_start3A_32 = tpu.memref_slice %arg9[%mul3A_19] : memref<10240xf32, #tpu.memory_space<vmem_shared>> -> memref<640xf32, #tpu.memory_space<vmem_shared>>
      tpu.enqueue_dma source(%arg7 : memref<640xf32, #tpu.memory_space<vmem>>) target(%dma_start3A_32 : memref<640xf32, #tpu.memory_space<vmem_shared>>) target_semaphore(%run_scoped3A : memref<!tpu.dma_semaphore, #tpu.memory_space<semaphore_mem>>)
      %dma_wait3A_33 = tpu.memref_slice %arg9[%mul3A_19] : memref<10240xf32, #tpu.memory_space<vmem_shared>> -> memref<640xf32, #tpu.memory_space<vmem_shared>>
      %dma_wait3A_34 = tpu.memref_slice %arg9[%mul3A_19] : memref<10240xf32, #tpu.memory_space<vmem_shared>> -> memref<640xf32, #tpu.memory_space<vmem_shared>>
      tpu.wait_dma2 semaphore(%run_scoped3A : memref<!tpu.dma_semaphore, #tpu.memory_space<semaphore_mem>>) src(%arg7 : memref<640xf32, #tpu.memory_space<vmem>>) dst(%dma_wait3A_34 : memref<640xf32, #tpu.memory_space<vmem_shared>>)
      tpu.yield
    }) : () -> ()
    %barrier3A_20 = arith.constant 0 : index
    tpu.barrier barrier_id(%barrier3A_20)
    %mul3A_21 = arith.constant 20000 : i32
    %mul3A_22 = arith.muli %arg1, %mul3A_21 : i32
    %mul3A_23 = arith.constant 10000 : i32
    %mul3A_24 = arith.muli %arg0, %mul3A_23 : i32
    %add3A = arith.addi %mul3A_22, %mul3A_24 : i32
    %mul3A_25 = arith.constant 10000 : i32
    %mul3A_26 = arith.muli %arg0, %mul3A_25 : i32
    %dma_start3A = tpu.memref_slice %arg5[%mul3A_26] : memref<20000xi32, #tpu.memory_space<vmem>> -> memref<10000xi32, #tpu.memory_space<vmem>>
    %dma_start3A_27 = arith.constant 0 : i32
    %dma_start3A_28 = tpu.memref_slice %arg9[%dma_start3A_27] : memref<10240xf32, #tpu.memory_space<vmem_shared>> -> memref<10240xf32, #tpu.memory_space<vmem_shared>>
    tpu.enqueue_indirect_dma source(%dma_start3A_28 : memref<10240xf32, #tpu.memory_space<vmem_shared>>) target(%arg8 : memref<10000xf32, #tpu.memory_space<vmem>>) offsets(%dma_start3A : memref<10000xi32, #tpu.memory_space<vmem>>) semaphore(%arg10 : memref<!tpu.dma_semaphore, #tpu.memory_space<semaphore_mem>>)
    %dma_wait3A = tpu.memref_slice %arg5[%mul3A_26] : memref<20000xi32, #tpu.memory_space<vmem>> -> memref<10000xi32, #tpu.memory_space<vmem>>
    %dma_wait3A_29 = arith.constant 0 : i32
    %dma_wait3A_30 = tpu.memref_slice %arg9[%dma_wait3A_29] : memref<10240xf32, #tpu.memory_space<vmem_shared>> -> memref<10240xf32, #tpu.memory_space<vmem_shared>>
    tpu.wait_indirect_dma semaphore(%arg10 : memref<!tpu.dma_semaphore, #tpu.memory_space<semaphore_mem>>) src(%dma_wait3A_30 : memref<10240xf32, #tpu.memory_space<vmem_shared>>) dst(%arg8 : memref<10000xf32, #tpu.memory_space<vmem>>)
    "tpu.region"() ({
      %run_scoped3A = tpu.sem_alloc : memref<!tpu.dma_semaphore, #tpu.memory_space<semaphore_mem>>
      %dma_start3A_31 = tpu.memref_slice %arg4[%add3A] : memref<320000xf32, #tpu.memory_space<hbm>> -> memref<10000xf32, #tpu.memory_space<hbm>>
      %dma_start3A_32 = tpu.memref_slice %arg4[%add3A] : memref<320000xf32, #tpu.memory_space<hbm>> -> memref<10000xf32, #tpu.memory_space<hbm>>
      tpu.enqueue_dma source(%arg8 : memref<10000xf32, #tpu.memory_space<vmem>>) target(%dma_start3A_32 : memref<10000xf32, #tpu.memory_space<hbm>>) target_semaphore(%run_scoped3A : memref<!tpu.dma_semaphore, #tpu.memory_space<semaphore_mem>>)
      %dma_wait3A_33 = tpu.memref_slice %arg4[%add3A] : memref<320000xf32, #tpu.memory_space<hbm>> -> memref<10000xf32, #tpu.memory_space<hbm>>
      %dma_wait3A_34 = tpu.memref_slice %arg4[%add3A] : memref<320000xf32, #tpu.memory_space<hbm>> -> memref<10000xf32, #tpu.memory_space<hbm>>
      tpu.wait_dma2 semaphore(%run_scoped3A : memref<!tpu.dma_semaphore, #tpu.memory_space<semaphore_mem>>) src(%arg8 : memref<10000xf32, #tpu.memory_space<vmem>>) dst(%dma_wait3A_34 : memref<10000xf32, #tpu.memory_space<hbm>>)
      tpu.yield
    }) : () -> ()
    return
  }
}

module attributes {stable_mosaic.version = 14 : i64} {
  func.func @_scale_body(%arg0: i32, %arg1: memref<6400x128xf32, #tpu.memory_space<vmem>>, %arg2: memref<1x50x128xf32, #tpu.memory_space<vmem>>, %arg3: memref<6400x128xf32, #tpu.memory_space<vmem>>) attributes {dimension_semantics = [#tpu.dimension_semantics<arbitrary>], iteration_bounds = array<i64: 50>, scalar_prefetch = 0 : i64, scratch_operands = 0 : i64, tpu.core_type = #tpu.core_type<tc>, window_params = [{transform_indices = @transform_0, window_bounds = array<i64: 6400, 128>}, {transform_indices = @transform_1, window_bounds = array<i64: 1, 50, 128>}, {transform_indices = @transform_2, window_bounds = array<i64: 6400, 128>}]} {
    %broadcast_in_dim3A = arith.constant 1.000000e+00 : f32
    %broadcast_in_dim3A_0 = vector.broadcast %broadcast_in_dim3A : f32 to vector<1x128xf32>
    %get3A = arith.constant 0 : index
    %get3A_1 = arith.constant 0 : index
    %get3A_2 = arith.constant 0 : index
    %get3A_3 = vector.load %arg2[%get3A, %get3A_1, %get3A_2] : memref<1x50x128xf32, #tpu.memory_space<vmem>>, vector<1x50x128xf32>
    %get3A_4 = vector.shape_cast %get3A_3 : vector<1x50x128xf32> to vector<50x128xf32>
    %slice3A = vector.extract_strided_slice %get3A_4 {offsets = [0, 0], sizes = [1, 128], strides = [1, 1]} : vector<50x128xf32> to vector<1x128xf32>
    %dot_general3A = arith.constant dense<0.000000e+00> : vector<128x128xf32>
    %dot_general3A_5 = tpu.matmul %slice3A, %broadcast_in_dim3A_0, %dot_general3A {dimension_numbers = #tpu.dot_dimension_numbers<[0], [0], [1], [1], [0, 1, 1, 1], [], []>, transpose_lhs_hint = false} : vector<1x128xf32>, vector<1x128xf32>, vector<128x128xf32> -> vector<128x128xf32>
    %get3A_6 = arith.constant 0 : index
    %get3A_7 = arith.constant 0 : index
    %get3A_8 = vector.load %arg1[%get3A_6, %get3A_7] : memref<6400x128xf32, #tpu.memory_space<vmem>>, vector<128x128xf32>
    %mul3A = arith.mulf %get3A_8, %dot_general3A_5 : vector<128x128xf32>
    %swap3A = arith.constant 0 : index
    %swap3A_9 = arith.constant 0 : index
    %swap3A_10 = vector.load %arg3[%swap3A, %swap3A_9] : memref<6400x128xf32, #tpu.memory_space<vmem>>, vector<128x128xf32>
    tpu.vector_store %arg3[%swap3A, %swap3A_9], %mul3A {strides = array<i32>} : memref<6400x128xf32, #tpu.memory_space<vmem>>, vector<128x128xf32>,
    %slice3A_11 = vector.extract_strided_slice %get3A_4 {offsets = [1, 0], sizes = [1, 128], strides = [1, 1]} : vector<50x128xf32> to vector<1x128xf32>
    %dot_general3A_12 = arith.constant dense<0.000000e+00> : vector<128x128xf32>
    %dot_general3A_13 = tpu.matmul %slice3A_11, %broadcast_in_dim3A_0, %dot_general3A_12 {dimension_numbers = #tpu.dot_dimension_numbers<[0], [0], [1], [1], [0, 1, 1, 1], [], []>, transpose_lhs_hint = false} : vector<1x128xf32>, vector<1x128xf32>, vector<128x128xf32> -> vector<128x128xf32>
    %get3A_14 = arith.constant 128 : index
    %get3A_15 = arith.constant 0 : index
    %get3A_16 = vector.load %arg1[%get3A_14, %get3A_15] : memref<6400x128xf32, #tpu.memory_space<vmem>>, vector<128x128xf32>
    %mul3A_17 = arith.mulf %get3A_16, %dot_general3A_13 : vector<128x128xf32>
    %swap3A_18 = arith.constant 128 : index
    %swap3A_19 = arith.constant 0 : index
    %swap3A_20 = vector.load %arg3[%swap3A_18, %swap3A_19] : memref<6400x128xf32, #tpu.memory_space<vmem>>, vector<128x128xf32>
    tpu.vector_store %arg3[%swap3A_18, %swap3A_19], %mul3A_17 {strides = array<i32>} : memref<6400x128xf32, #tpu.memory_space<vmem>>, vector<128x128xf32>,
    %slice3A_21 = vector.extract_strided_slice %get3A_4 {offsets = [2, 0], sizes = [1, 128], strides = [1, 1]} : vector<50x128xf32> to vector<1x128xf32>
    %dot_general3A_22 = arith.constant dense<0.000000e+00> : vector<128x128xf32>
    %dot_general3A_23 = tpu.matmul %slice3A_21, %broadcast_in_dim3A_0, %dot_general3A_22 {dimension_numbers = #tpu.dot_dimension_numbers<[0], [0], [1], [1], [0, 1, 1, 1], [], []>, transpose_lhs_hint = false} : vector<1x128xf32>, vector<1x128xf32>, vector<128x128xf32> -> vector<128x128xf32>
    %get3A_24 = arith.constant 256 : index
    %get3A_25 = arith.constant 0 : index
    %get3A_26 = vector.load %arg1[%get3A_24, %get3A_25] : memref<6400x128xf32, #tpu.memory_space<vmem>>, vector<128x128xf32>
    %mul3A_27 = arith.mulf %get3A_26, %dot_general3A_23 : vector<128x128xf32>
    %swap3A_28 = arith.constant 256 : index
    %swap3A_29 = arith.constant 0 : index
    %swap3A_30 = vector.load %arg3[%swap3A_28, %swap3A_29] : memref<6400x128xf32, #tpu.memory_space<vmem>>, vector<128x128xf32>
    tpu.vector_store %arg3[%swap3A_28, %swap3A_29], %mul3A_27 {strides = array<i32>} : memref<6400x128xf32, #tpu.memory_space<vmem>>, vector<128x128xf32>,
    %slice3A_31 = vector.extract_strided_slice %get3A_4 {offsets = [3, 0], sizes = [1, 128], strides = [1, 1]} : vector<50x128xf32> to vector<1x128xf32>
    %dot_general3A_32 = arith.constant dense<0.000000e+00> : vector<128x128xf32>
    %dot_general3A_33 = tpu.matmul %slice3A_31, %broadcast_in_dim3A_0, %dot_general3A_32 {dimension_numbers = #tpu.dot_dimension_numbers<[0], [0], [1], [1], [0, 1, 1, 1], [], []>, transpose_lhs_hint = false} : vector<1x128xf32>, vector<1x128xf32>, vector<128x128xf32> -> vector<128x128xf32>
    %get3A_34 = arith.constant 384 : index
    %get3A_35 = arith.constant 0 : index
    %get3A_36 = vector.load %arg1[%get3A_34, %get3A_35] : memref<6400x128xf32, #tpu.memory_space<vmem>>, vector<128x128xf32>
    %mul3A_37 = arith.mulf %get3A_36, %dot_general3A_33 : vector<128x128xf32>
    %swap3A_38 = arith.constant 384 : index
    %swap3A_39 = arith.constant 0 : index
    %swap3A_40 = vector.load %arg3[%swap3A_38, %swap3A_39] : memref<6400x128xf32, #tpu.memory_space<vmem>>, vector<128x128xf32>
    tpu.vector_store %arg3[%swap3A_38, %swap3A_39], %mul3A_37 {strides = array<i32>} : memref<6400x128xf32, #tpu.memory_space<vmem>>, vector<128x128xf32>,
    %slice3A_41 = vector.extract_strided_slice %get3A_4 {offsets = [4, 0], sizes = [1, 128], strides = [1, 1]} : vector<50x128xf32> to vector<1x128xf32>
    %dot_general3A_42 = arith.constant dense<0.000000e+00> : vector<128x128xf32>
    %dot_general3A_43 = tpu.matmul %slice3A_41, %broadcast_in_dim3A_0, %dot_general3A_42 {dimension_numbers = #tpu.dot_dimension_numbers<[0], [0], [1], [1], [0, 1, 1, 1], [], []>, transpose_lhs_hint = false} : vector<1x128xf32>, vector<1x128xf32>, vector<128x128xf32> -> vector<128x128xf32>
    %get3A_44 = arith.constant 512 : index
    %get3A_45 = arith.constant 0 : index
    %get3A_46 = vector.load %arg1[%get3A_44, %get3A_45] : memref<6400x128xf32, #tpu.memory_space<vmem>>, vector<128x128xf32>
    %mul3A_47 = arith.mulf %get3A_46, %dot_general3A_43 : vector<128x128xf32>
    %swap3A_48 = arith.constant 512 : index
    %swap3A_49 = arith.constant 0 : index
    %swap3A_50 = vector.load %arg3[%swap3A_48, %swap3A_49] : memref<6400x128xf32, #tpu.memory_space<vmem>>, vector<128x128xf32>
    tpu.vector_store %arg3[%swap3A_48, %swap3A_49], %mul3A_47 {strides = array<i32>} : memref<6400x128xf32, #tpu.memory_space<vmem>>, vector<128x128xf32>,
    %slice3A_51 = vector.extract_strided_slice %get3A_4 {offsets = [5, 0], sizes = [1, 128], strides = [1, 1]} : vector<50x128xf32> to vector<1x128xf32>
    %dot_general3A_52 = arith.constant dense<0.000000e+00> : vector<128x128xf32>
    %dot_general3A_53 = tpu.matmul %slice3A_51, %broadcast_in_dim3A_0, %dot_general3A_52 {dimension_numbers = #tpu.dot_dimension_numbers<[0], [0], [1], [1], [0, 1, 1, 1], [], []>, transpose_lhs_hint = false} : vector<1x128xf32>, vector<1x128xf32>, vector<128x128xf32> -> vector<128x128xf32>
    %get3A_54 = arith.constant 640 : index
    %get3A_55 = arith.constant 0 : index
    %get3A_56 = vector.load %arg1[%get3A_54, %get3A_55] : memref<6400x128xf32, #tpu.memory_space<vmem>>, vector<128x128xf32>
    %mul3A_57 = arith.mulf %get3A_56, %dot_general3A_53 : vector<128x128xf32>
    %swap3A_58 = arith.constant 640 : index
    %swap3A_59 = arith.constant 0 : index
    %swap3A_60 = vector.load %arg3[%swap3A_58, %swap3A_59] : memref<6400x128xf32, #tpu.memory_space<vmem>>, vector<128x128xf32>
    tpu.vector_store %arg3[%swap3A_58, %swap3A_59], %mul3A_57 {strides = array<i32>} : memref<6400x128xf32, #tpu.memory_space<vmem>>, vector<128x128xf32>,
    %slice3A_61 = vector.extract_strided_slice %get3A_4 {offsets = [6, 0], sizes = [1, 128], strides = [1, 1]} : vector<50x128xf32> to vector<1x128xf32>
    %dot_general3A_62 = arith.constant dense<0.000000e+00> : vector<128x128xf32>
    %dot_general3A_63 = tpu.matmul %slice3A_61, %broadcast_in_dim3A_0, %dot_general3A_62 {dimension_numbers = #tpu.dot_dimension_numbers<[0], [0], [1], [1], [0, 1, 1, 1], [], []>, transpose_lhs_hint = false} : vector<1x128xf32>, vector<1x128xf32>, vector<128x128xf32> -> vector<128x128xf32>
    %get3A_64 = arith.constant 768 : index
    %get3A_65 = arith.constant 0 : index
    %get3A_66 = vector.load %arg1[%get3A_64, %get3A_65] : memref<6400x128xf32, #tpu.memory_space<vmem>>, vector<128x128xf32>
    %mul3A_67 = arith.mulf %get3A_66, %dot_general3A_63 : vector<128x128xf32>
    %swap3A_68 = arith.constant 768 : index
    %swap3A_69 = arith.constant 0 : index
    %swap3A_70 = vector.load %arg3[%swap3A_68, %swap3A_69] : memref<6400x128xf32, #tpu.memory_space<vmem>>, vector<128x128xf32>
    tpu.vector_store %arg3[%swap3A_68, %swap3A_69], %mul3A_67 {strides = array<i32>} : memref<6400x128xf32, #tpu.memory_space<vmem>>, vector<128x128xf32>,
    %slice3A_71 = vector.extract_strided_slice %get3A_4 {offsets = [7, 0], sizes = [1, 128], strides = [1, 1]} : vector<50x128xf32> to vector<1x128xf32>
    %dot_general3A_72 = arith.constant dense<0.000000e+00> : vector<128x128xf32>
    %dot_general3A_73 = tpu.matmul %slice3A_71, %broadcast_in_dim3A_0, %dot_general3A_72 {dimension_numbers = #tpu.dot_dimension_numbers<[0], [0], [1], [1], [0, 1, 1, 1], [], []>, transpose_lhs_hint = false} : vector<1x128xf32>, vector<1x128xf32>, vector<128x128xf32> -> vector<128x128xf32>
    %get3A_74 = arith.constant 896 : index
    %get3A_75 = arith.constant 0 : index
    %get3A_76 = vector.load %arg1[%get3A_74, %get3A_75] : memref<6400x128xf32, #tpu.memory_space<vmem>>, vector<128x128xf32>
    %mul3A_77 = arith.mulf %get3A_76, %dot_general3A_73 : vector<128x128xf32>
    %swap3A_78 = arith.constant 896 : index
    %swap3A_79 = arith.constant 0 : index
    %swap3A_80 = vector.load %arg3[%swap3A_78, %swap3A_79] : memref<6400x128xf32, #tpu.memory_space<vmem>>, vector<128x128xf32>
    tpu.vector_store %arg3[%swap3A_78, %swap3A_79], %mul3A_77 {strides = array<i32>} : memref<6400x128xf32, #tpu.memory_space<vmem>>, vector<128x128xf32>,
    %slice3A_81 = vector.extract_strided_slice %get3A_4 {offsets = [8, 0], sizes = [1, 128], strides = [1, 1]} : vector<50x128xf32> to vector<1x128xf32>
    %dot_general3A_82 = arith.constant dense<0.000000e+00> : vector<128x128xf32>
    %dot_general3A_83 = tpu.matmul %slice3A_81, %broadcast_in_dim3A_0, %dot_general3A_82 {dimension_numbers = #tpu.dot_dimension_numbers<[0], [0], [1], [1], [0, 1, 1, 1], [], []>, transpose_lhs_hint = false} : vector<1x128xf32>, vector<1x128xf32>, vector<128x128xf32> -> vector<128x128xf32>
    %get3A_84 = arith.constant 1024 : index
    %get3A_85 = arith.constant 0 : index
    %get3A_86 = vector.load %arg1[%get3A_84, %get3A_85] : memref<6400x128xf32, #tpu.memory_space<vmem>>, vector<128x128xf32>
    %mul3A_87 = arith.mulf %get3A_86, %dot_general3A_83 : vector<128x128xf32>
    %swap3A_88 = arith.constant 1024 : index
    %swap3A_89 = arith.constant 0 : index
    %swap3A_90 = vector.load %arg3[%swap3A_88, %swap3A_89] : memref<6400x128xf32, #tpu.memory_space<vmem>>, vector<128x128xf32>
    tpu.vector_store %arg3[%swap3A_88, %swap3A_89], %mul3A_87 {strides = array<i32>} : memref<6400x128xf32, #tpu.memory_space<vmem>>, vector<128x128xf32>,
    %slice3A_91 = vector.extract_strided_slice %get3A_4 {offsets = [9, 0], sizes = [1, 128], strides = [1, 1]} : vector<50x128xf32> to vector<1x128xf32>
    %dot_general3A_92 = arith.constant dense<0.000000e+00> : vector<128x128xf32>
    %dot_general3A_93 = tpu.matmul %slice3A_91, %broadcast_in_dim3A_0, %dot_general3A_92 {dimension_numbers = #tpu.dot_dimension_numbers<[0], [0], [1], [1], [0, 1, 1, 1], [], []>, transpose_lhs_hint = false} : vector<1x128xf32>, vector<1x128xf32>, vector<128x128xf32> -> vector<128x128xf32>
    %get3A_94 = arith.constant 1152 : index
    %get3A_95 = arith.constant 0 : index
    %get3A_96 = vector.load %arg1[%get3A_94, %get3A_95] : memref<6400x128xf32, #tpu.memory_space<vmem>>, vector<128x128xf32>
    %mul3A_97 = arith.mulf %get3A_96, %dot_general3A_93 : vector<128x128xf32>
    %swap3A_98 = arith.constant 1152 : index
    %swap3A_99 = arith.constant 0 : index
    %swap3A_100 = vector.load %arg3[%swap3A_98, %swap3A_99] : memref<6400x128xf32, #tpu.memory_space<vmem>>, vector<128x128xf32>
    tpu.vector_store %arg3[%swap3A_98, %swap3A_99], %mul3A_97 {strides = array<i32>} : memref<6400x128xf32, #tpu.memory_space<vmem>>, vector<128x128xf32>,
    %slice3A_101 = vector.extract_strided_slice %get3A_4 {offsets = [10, 0], sizes = [1, 128], strides = [1, 1]} : vector<50x128xf32> to vector<1x128xf32>
    %dot_general3A_102 = arith.constant dense<0.000000e+00> : vector<128x128xf32>
    %dot_general3A_103 = tpu.matmul %slice3A_101, %broadcast_in_dim3A_0, %dot_general3A_102 {dimension_numbers = #tpu.dot_dimension_numbers<[0], [0], [1], [1], [0, 1, 1, 1], [], []>, transpose_lhs_hint = false} : vector<1x128xf32>, vector<1x128xf32>, vector<128x128xf32> -> vector<128x128xf32>
    %get3A_104 = arith.constant 1280 : index
    %get3A_105 = arith.constant 0 : index
    %get3A_106 = vector.load %arg1[%get3A_104, %get3A_105] : memref<6400x128xf32, #tpu.memory_space<vmem>>, vector<128x128xf32>
    %mul3A_107 = arith.mulf %get3A_106, %dot_general3A_103 : vector<128x128xf32>
    %swap3A_108 = arith.constant 1280 : index
    %swap3A_109 = arith.constant 0 : index
    %swap3A_110 = vector.load %arg3[%swap3A_108, %swap3A_109] : memref<6400x128xf32, #tpu.memory_space<vmem>>, vector<128x128xf32>
    tpu.vector_store %arg3[%swap3A_108, %swap3A_109], %mul3A_107 {strides = array<i32>} : memref<6400x128xf32, #tpu.memory_space<vmem>>, vector<128x128xf32>,
    %slice3A_111 = vector.extract_strided_slice %get3A_4 {offsets = [11, 0], sizes = [1, 128], strides = [1, 1]} : vector<50x128xf32> to vector<1x128xf32>
    %dot_general3A_112 = arith.constant dense<0.000000e+00> : vector<128x128xf32>
    %dot_general3A_113 = tpu.matmul %slice3A_111, %broadcast_in_dim3A_0, %dot_general3A_112 {dimension_numbers = #tpu.dot_dimension_numbers<[0], [0], [1], [1], [0, 1, 1, 1], [], []>, transpose_lhs_hint = false} : vector<1x128xf32>, vector<1x128xf32>, vector<128x128xf32> -> vector<128x128xf32>
    %get3A_114 = arith.constant 1408 : index
    %get3A_115 = arith.constant 0 : index
    %get3A_116 = vector.load %arg1[%get3A_114, %get3A_115] : memref<6400x128xf32, #tpu.memory_space<vmem>>, vector<128x128xf32>
    %mul3A_117 = arith.mulf %get3A_116, %dot_general3A_113 : vector<128x128xf32>
    %swap3A_118 = arith.constant 1408 : index
    %swap3A_119 = arith.constant 0 : index
    %swap3A_120 = vector.load %arg3[%swap3A_118, %swap3A_119] : memref<6400x128xf32, #tpu.memory_space<vmem>>, vector<128x128xf32>
    tpu.vector_store %arg3[%swap3A_118, %swap3A_119], %mul3A_117 {strides = array<i32>} : memref<6400x128xf32, #tpu.memory_space<vmem>>, vector<128x128xf32>,
    %slice3A_121 = vector.extract_strided_slice %get3A_4 {offsets = [12, 0], sizes = [1, 128], strides = [1, 1]} : vector<50x128xf32> to vector<1x128xf32>
    %dot_general3A_122 = arith.constant dense<0.000000e+00> : vector<128x128xf32>
    %dot_general3A_123 = tpu.matmul %slice3A_121, %broadcast_in_dim3A_0, %dot_general3A_122 {dimension_numbers = #tpu.dot_dimension_numbers<[0], [0], [1], [1], [0, 1, 1, 1], [], []>, transpose_lhs_hint = false} : vector<1x128xf32>, vector<1x128xf32>, vector<128x128xf32> -> vector<128x128xf32>
    %get3A_124 = arith.constant 1536 : index
    %get3A_125 = arith.constant 0 : index
    %get3A_126 = vector.load %arg1[%get3A_124, %get3A_125] : memref<6400x128xf32, #tpu.memory_space<vmem>>, vector<128x128xf32>
    %mul3A_127 = arith.mulf %get3A_126, %dot_general3A_123 : vector<128x128xf32>
    %swap3A_128 = arith.constant 1536 : index
    %swap3A_129 = arith.constant 0 : index
    %swap3A_130 = vector.load %arg3[%swap3A_128, %swap3A_129] : memref<6400x128xf32, #tpu.memory_space<vmem>>, vector<128x128xf32>
    tpu.vector_store %arg3[%swap3A_128, %swap3A_129], %mul3A_127 {strides = array<i32>} : memref<6400x128xf32, #tpu.memory_space<vmem>>, vector<128x128xf32>,
    %slice3A_131 = vector.extract_strided_slice %get3A_4 {offsets = [13, 0], sizes = [1, 128], strides = [1, 1]} : vector<50x128xf32> to vector<1x128xf32>
    %dot_general3A_132 = arith.constant dense<0.000000e+00> : vector<128x128xf32>
    %dot_general3A_133 = tpu.matmul %slice3A_131, %broadcast_in_dim3A_0, %dot_general3A_132 {dimension_numbers = #tpu.dot_dimension_numbers<[0], [0], [1], [1], [0, 1, 1, 1], [], []>, transpose_lhs_hint = false} : vector<1x128xf32>, vector<1x128xf32>, vector<128x128xf32> -> vector<128x128xf32>
    %get3A_134 = arith.constant 1664 : index
    %get3A_135 = arith.constant 0 : index
    %get3A_136 = vector.load %arg1[%get3A_134, %get3A_135] : memref<6400x128xf32, #tpu.memory_space<vmem>>, vector<128x128xf32>
    %mul3A_137 = arith.mulf %get3A_136, %dot_general3A_133 : vector<128x128xf32>
    %swap3A_138 = arith.constant 1664 : index
    %swap3A_139 = arith.constant 0 : index
    %swap3A_140 = vector.load %arg3[%swap3A_138, %swap3A_139] : memref<6400x128xf32, #tpu.memory_space<vmem>>, vector<128x128xf32>
    tpu.vector_store %arg3[%swap3A_138, %swap3A_139], %mul3A_137 {strides = array<i32>} : memref<6400x128xf32, #tpu.memory_space<vmem>>, vector<128x128xf32>,
    %slice3A_141 = vector.extract_strided_slice %get3A_4 {offsets = [14, 0], sizes = [1, 128], strides = [1, 1]} : vector<50x128xf32> to vector<1x128xf32>
    %dot_general3A_142 = arith.constant dense<0.000000e+00> : vector<128x128xf32>
    %dot_general3A_143 = tpu.matmul %slice3A_141, %broadcast_in_dim3A_0, %dot_general3A_142 {dimension_numbers = #tpu.dot_dimension_numbers<[0], [0], [1], [1], [0, 1, 1, 1], [], []>, transpose_lhs_hint = false} : vector<1x128xf32>, vector<1x128xf32>, vector<128x128xf32> -> vector<128x128xf32>
    %get3A_144 = arith.constant 1792 : index
    %get3A_145 = arith.constant 0 : index
    %get3A_146 = vector.load %arg1[%get3A_144, %get3A_145] : memref<6400x128xf32, #tpu.memory_space<vmem>>, vector<128x128xf32>
    %mul3A_147 = arith.mulf %get3A_146, %dot_general3A_143 : vector<128x128xf32>
    %swap3A_148 = arith.constant 1792 : index
    %swap3A_149 = arith.constant 0 : index
    %swap3A_150 = vector.load %arg3[%swap3A_148, %swap3A_149] : memref<6400x128xf32, #tpu.memory_space<vmem>>, vector<128x128xf32>
    tpu.vector_store %arg3[%swap3A_148, %swap3A_149], %mul3A_147 {strides = array<i32>} : memref<6400x128xf32, #tpu.memory_space<vmem>>, vector<128x128xf32>,
    %slice3A_151 = vector.extract_strided_slice %get3A_4 {offsets = [15, 0], sizes = [1, 128], strides = [1, 1]} : vector<50x128xf32> to vector<1x128xf32>
    %dot_general3A_152 = arith.constant dense<0.000000e+00> : vector<128x128xf32>
    %dot_general3A_153 = tpu.matmul %slice3A_151, %broadcast_in_dim3A_0, %dot_general3A_152 {dimension_numbers = #tpu.dot_dimension_numbers<[0], [0], [1], [1], [0, 1, 1, 1], [], []>, transpose_lhs_hint = false} : vector<1x128xf32>, vector<1x128xf32>, vector<128x128xf32> -> vector<128x128xf32>
    %get3A_154 = arith.constant 1920 : index
    %get3A_155 = arith.constant 0 : index
    %get3A_156 = vector.load %arg1[%get3A_154, %get3A_155] : memref<6400x128xf32, #tpu.memory_space<vmem>>, vector<128x128xf32>
    %mul3A_157 = arith.mulf %get3A_156, %dot_general3A_153 : vector<128x128xf32>
    %swap3A_158 = arith.constant 1920 : index
    %swap3A_159 = arith.constant 0 : index
    %swap3A_160 = vector.load %arg3[%swap3A_158, %swap3A_159] : memref<6400x128xf32, #tpu.memory_space<vmem>>, vector<128x128xf32>
    tpu.vector_store %arg3[%swap3A_158, %swap3A_159], %mul3A_157 {strides = array<i32>} : memref<6400x128xf32, #tpu.memory_space<vmem>>, vector<128x128xf32>,
    %slice3A_161 = vector.extract_strided_slice %get3A_4 {offsets = [16, 0], sizes = [1, 128], strides = [1, 1]} : vector<50x128xf32> to vector<1x128xf32>
    %dot_general3A_162 = arith.constant dense<0.000000e+00> : vector<128x128xf32>
    %dot_general3A_163 = tpu.matmul %slice3A_161, %broadcast_in_dim3A_0, %dot_general3A_162 {dimension_numbers = #tpu.dot_dimension_numbers<[0], [0], [1], [1], [0, 1, 1, 1], [], []>, transpose_lhs_hint = false} : vector<1x128xf32>, vector<1x128xf32>, vector<128x128xf32> -> vector<128x128xf32>
    %get3A_164 = arith.constant 2048 : index
    %get3A_165 = arith.constant 0 : index
    %get3A_166 = vector.load %arg1[%get3A_164, %get3A_165] : memref<6400x128xf32, #tpu.memory_space<vmem>>, vector<128x128xf32>
    %mul3A_167 = arith.mulf %get3A_166, %dot_general3A_163 : vector<128x128xf32>
    %swap3A_168 = arith.constant 2048 : index
    %swap3A_169 = arith.constant 0 : index
    %swap3A_170 = vector.load %arg3[%swap3A_168, %swap3A_169] : memref<6400x128xf32, #tpu.memory_space<vmem>>, vector<128x128xf32>
    tpu.vector_store %arg3[%swap3A_168, %swap3A_169], %mul3A_167 {strides = array<i32>} : memref<6400x128xf32, #tpu.memory_space<vmem>>, vector<128x128xf32>,
    %slice3A_171 = vector.extract_strided_slice %get3A_4 {offsets = [17, 0], sizes = [1, 128], strides = [1, 1]} : vector<50x128xf32> to vector<1x128xf32>
    %dot_general3A_172 = arith.constant dense<0.000000e+00> : vector<128x128xf32>
    %dot_general3A_173 = tpu.matmul %slice3A_171, %broadcast_in_dim3A_0, %dot_general3A_172 {dimension_numbers = #tpu.dot_dimension_numbers<[0], [0], [1], [1], [0, 1, 1, 1], [], []>, transpose_lhs_hint = false} : vector<1x128xf32>, vector<1x128xf32>, vector<128x128xf32> -> vector<128x128xf32>
    %get3A_174 = arith.constant 2176 : index
    %get3A_175 = arith.constant 0 : index
    %get3A_176 = vector.load %arg1[%get3A_174, %get3A_175] : memref<6400x128xf32, #tpu.memory_space<vmem>>, vector<128x128xf32>
    %mul3A_177 = arith.mulf %get3A_176, %dot_general3A_173 : vector<128x128xf32>
    %swap3A_178 = arith.constant 2176 : index
    %swap3A_179 = arith.constant 0 : index
    %swap3A_180 = vector.load %arg3[%swap3A_178, %swap3A_179] : memref<6400x128xf32, #tpu.memory_space<vmem>>, vector<128x128xf32>
    tpu.vector_store %arg3[%swap3A_178, %swap3A_179], %mul3A_177 {strides = array<i32>} : memref<6400x128xf32, #tpu.memory_space<vmem>>, vector<128x128xf32>,
    %slice3A_181 = vector.extract_strided_slice %get3A_4 {offsets = [18, 0], sizes = [1, 128], strides = [1, 1]} : vector<50x128xf32> to vector<1x128xf32>
    %dot_general3A_182 = arith.constant dense<0.000000e+00> : vector<128x128xf32>
    %dot_general3A_183 = tpu.matmul %slice3A_181, %broadcast_in_dim3A_0, %dot_general3A_182 {dimension_numbers = #tpu.dot_dimension_numbers<[0], [0], [1], [1], [0, 1, 1, 1], [], []>, transpose_lhs_hint = false} : vector<1x128xf32>, vector<1x128xf32>, vector<128x128xf32> -> vector<128x128xf32>
    %get3A_184 = arith.constant 2304 : index
    %get3A_185 = arith.constant 0 : index
    %get3A_186 = vector.load %arg1[%get3A_184, %get3A_185] : memref<6400x128xf32, #tpu.memory_space<vmem>>, vector<128x128xf32>
    %mul3A_187 = arith.mulf %get3A_186, %dot_general3A_183 : vector<128x128xf32>
    %swap3A_188 = arith.constant 2304 : index
    %swap3A_189 = arith.constant 0 : index
    %swap3A_190 = vector.load %arg3[%swap3A_188, %swap3A_189] : memref<6400x128xf32, #tpu.memory_space<vmem>>, vector<128x128xf32>
    tpu.vector_store %arg3[%swap3A_188, %swap3A_189], %mul3A_187 {strides = array<i32>} : memref<6400x128xf32, #tpu.memory_space<vmem>>, vector<128x128xf32>,
    %slice3A_191 = vector.extract_strided_slice %get3A_4 {offsets = [19, 0], sizes = [1, 128], strides = [1, 1]} : vector<50x128xf32> to vector<1x128xf32>
    %dot_general3A_192 = arith.constant dense<0.000000e+00> : vector<128x128xf32>
    %dot_general3A_193 = tpu.matmul %slice3A_191, %broadcast_in_dim3A_0, %dot_general3A_192 {dimension_numbers = #tpu.dot_dimension_numbers<[0], [0], [1], [1], [0, 1, 1, 1], [], []>, transpose_lhs_hint = false} : vector<1x128xf32>, vector<1x128xf32>, vector<128x128xf32> -> vector<128x128xf32>
    %get3A_194 = arith.constant 2432 : index
    %get3A_195 = arith.constant 0 : index
    %get3A_196 = vector.load %arg1[%get3A_194, %get3A_195] : memref<6400x128xf32, #tpu.memory_space<vmem>>, vector<128x128xf32>
    %mul3A_197 = arith.mulf %get3A_196, %dot_general3A_193 : vector<128x128xf32>
    %swap3A_198 = arith.constant 2432 : index
    %swap3A_199 = arith.constant 0 : index
    %swap3A_200 = vector.load %arg3[%swap3A_198, %swap3A_199] : memref<6400x128xf32, #tpu.memory_space<vmem>>, vector<128x128xf32>
    tpu.vector_store %arg3[%swap3A_198, %swap3A_199], %mul3A_197 {strides = array<i32>} : memref<6400x128xf32, #tpu.memory_space<vmem>>, vector<128x128xf32>,
    %slice3A_201 = vector.extract_strided_slice %get3A_4 {offsets = [20, 0], sizes = [1, 128], strides = [1, 1]} : vector<50x128xf32> to vector<1x128xf32>
    %dot_general3A_202 = arith.constant dense<0.000000e+00> : vector<128x128xf32>
    %dot_general3A_203 = tpu.matmul %slice3A_201, %broadcast_in_dim3A_0, %dot_general3A_202 {dimension_numbers = #tpu.dot_dimension_numbers<[0], [0], [1], [1], [0, 1, 1, 1], [], []>, transpose_lhs_hint = false} : vector<1x128xf32>, vector<1x128xf32>, vector<128x128xf32> -> vector<128x128xf32>
    %get3A_204 = arith.constant 2560 : index
    %get3A_205 = arith.constant 0 : index
    %get3A_206 = vector.load %arg1[%get3A_204, %get3A_205] : memref<6400x128xf32, #tpu.memory_space<vmem>>, vector<128x128xf32>
    %mul3A_207 = arith.mulf %get3A_206, %dot_general3A_203 : vector<128x128xf32>
    %swap3A_208 = arith.constant 2560 : index
    %swap3A_209 = arith.constant 0 : index
    %swap3A_210 = vector.load %arg3[%swap3A_208, %swap3A_209] : memref<6400x128xf32, #tpu.memory_space<vmem>>, vector<128x128xf32>
    tpu.vector_store %arg3[%swap3A_208, %swap3A_209], %mul3A_207 {strides = array<i32>} : memref<6400x128xf32, #tpu.memory_space<vmem>>, vector<128x128xf32>,
    %slice3A_211 = vector.extract_strided_slice %get3A_4 {offsets = [21, 0], sizes = [1, 128], strides = [1, 1]} : vector<50x128xf32> to vector<1x128xf32>
    %dot_general3A_212 = arith.constant dense<0.000000e+00> : vector<128x128xf32>
    %dot_general3A_213 = tpu.matmul %slice3A_211, %broadcast_in_dim3A_0, %dot_general3A_212 {dimension_numbers = #tpu.dot_dimension_numbers<[0], [0], [1], [1], [0, 1, 1, 1], [], []>, transpose_lhs_hint = false} : vector<1x128xf32>, vector<1x128xf32>, vector<128x128xf32> -> vector<128x128xf32>
    %get3A_214 = arith.constant 2688 : index
    %get3A_215 = arith.constant 0 : index
    %get3A_216 = vector.load %arg1[%get3A_214, %get3A_215] : memref<6400x128xf32, #tpu.memory_space<vmem>>, vector<128x128xf32>
    %mul3A_217 = arith.mulf %get3A_216, %dot_general3A_213 : vector<128x128xf32>
    %swap3A_218 = arith.constant 2688 : index
    %swap3A_219 = arith.constant 0 : index
    %swap3A_220 = vector.load %arg3[%swap3A_218, %swap3A_219] : memref<6400x128xf32, #tpu.memory_space<vmem>>, vector<128x128xf32>
    tpu.vector_store %arg3[%swap3A_218, %swap3A_219], %mul3A_217 {strides = array<i32>} : memref<6400x128xf32, #tpu.memory_space<vmem>>, vector<128x128xf32>,
    %slice3A_221 = vector.extract_strided_slice %get3A_4 {offsets = [22, 0], sizes = [1, 128], strides = [1, 1]} : vector<50x128xf32> to vector<1x128xf32>
    %dot_general3A_222 = arith.constant dense<0.000000e+00> : vector<128x128xf32>
    %dot_general3A_223 = tpu.matmul %slice3A_221, %broadcast_in_dim3A_0, %dot_general3A_222 {dimension_numbers = #tpu.dot_dimension_numbers<[0], [0], [1], [1], [0, 1, 1, 1], [], []>, transpose_lhs_hint = false} : vector<1x128xf32>, vector<1x128xf32>, vector<128x128xf32> -> vector<128x128xf32>
    %get3A_224 = arith.constant 2816 : index
    %get3A_225 = arith.constant 0 : index
    %get3A_226 = vector.load %arg1[%get3A_224, %get3A_225] : memref<6400x128xf32, #tpu.memory_space<vmem>>, vector<128x128xf32>
    %mul3A_227 = arith.mulf %get3A_226, %dot_general3A_223 : vector<128x128xf32>
    %swap3A_228 = arith.constant 2816 : index
    %swap3A_229 = arith.constant 0 : index
    %swap3A_230 = vector.load %arg3[%swap3A_228, %swap3A_229] : memref<6400x128xf32, #tpu.memory_space<vmem>>, vector<128x128xf32>
    tpu.vector_store %arg3[%swap3A_228, %swap3A_229], %mul3A_227 {strides = array<i32>} : memref<6400x128xf32, #tpu.memory_space<vmem>>, vector<128x128xf32>,
    %slice3A_231 = vector.extract_strided_slice %get3A_4 {offsets = [23, 0], sizes = [1, 128], strides = [1, 1]} : vector<50x128xf32> to vector<1x128xf32>
    %dot_general3A_232 = arith.constant dense<0.000000e+00> : vector<128x128xf32>
    %dot_general3A_233 = tpu.matmul %slice3A_231, %broadcast_in_dim3A_0, %dot_general3A_232 {dimension_numbers = #tpu.dot_dimension_numbers<[0], [0], [1], [1], [0, 1, 1, 1], [], []>, transpose_lhs_hint = false} : vector<1x128xf32>, vector<1x128xf32>, vector<128x128xf32> -> vector<128x128xf32>
    %get3A_234 = arith.constant 2944 : index
    %get3A_235 = arith.constant 0 : index
    %get3A_236 = vector.load %arg1[%get3A_234, %get3A_235] : memref<6400x128xf32, #tpu.memory_space<vmem>>, vector<128x128xf32>
    %mul3A_237 = arith.mulf %get3A_236, %dot_general3A_233 : vector<128x128xf32>
    %swap3A_238 = arith.constant 2944 : index
    %swap3A_239 = arith.constant 0 : index
    %swap3A_240 = vector.load %arg3[%swap3A_238, %swap3A_239] : memref<6400x128xf32, #tpu.memory_space<vmem>>, vector<128x128xf32>
    tpu.vector_store %arg3[%swap3A_238, %swap3A_239], %mul3A_237 {strides = array<i32>} : memref<6400x128xf32, #tpu.memory_space<vmem>>, vector<128x128xf32>,
    %slice3A_241 = vector.extract_strided_slice %get3A_4 {offsets = [24, 0], sizes = [1, 128], strides = [1, 1]} : vector<50x128xf32> to vector<1x128xf32>
    %dot_general3A_242 = arith.constant dense<0.000000e+00> : vector<128x128xf32>
    %dot_general3A_243 = tpu.matmul %slice3A_241, %broadcast_in_dim3A_0, %dot_general3A_242 {dimension_numbers = #tpu.dot_dimension_numbers<[0], [0], [1], [1], [0, 1, 1, 1], [], []>, transpose_lhs_hint = false} : vector<1x128xf32>, vector<1x128xf32>, vector<128x128xf32> -> vector<128x128xf32>
    %get3A_244 = arith.constant 3072 : index
    %get3A_245 = arith.constant 0 : index
    %get3A_246 = vector.load %arg1[%get3A_244, %get3A_245] : memref<6400x128xf32, #tpu.memory_space<vmem>>, vector<128x128xf32>
    %mul3A_247 = arith.mulf %get3A_246, %dot_general3A_243 : vector<128x128xf32>
    %swap3A_248 = arith.constant 3072 : index
    %swap3A_249 = arith.constant 0 : index
    %swap3A_250 = vector.load %arg3[%swap3A_248, %swap3A_249] : memref<6400x128xf32, #tpu.memory_space<vmem>>, vector<128x128xf32>
    tpu.vector_store %arg3[%swap3A_248, %swap3A_249], %mul3A_247 {strides = array<i32>} : memref<6400x128xf32, #tpu.memory_space<vmem>>, vector<128x128xf32>,
    %slice3A_251 = vector.extract_strided_slice %get3A_4 {offsets = [25, 0], sizes = [1, 128], strides = [1, 1]} : vector<50x128xf32> to vector<1x128xf32>
    %dot_general3A_252 = arith.constant dense<0.000000e+00> : vector<128x128xf32>
    %dot_general3A_253 = tpu.matmul %slice3A_251, %broadcast_in_dim3A_0, %dot_general3A_252 {dimension_numbers = #tpu.dot_dimension_numbers<[0], [0], [1], [1], [0, 1, 1, 1], [], []>, transpose_lhs_hint = false} : vector<1x128xf32>, vector<1x128xf32>, vector<128x128xf32> -> vector<128x128xf32>
    %get3A_254 = arith.constant 3200 : index
    %get3A_255 = arith.constant 0 : index
    %get3A_256 = vector.load %arg1[%get3A_254, %get3A_255] : memref<6400x128xf32, #tpu.memory_space<vmem>>, vector<128x128xf32>
    %mul3A_257 = arith.mulf %get3A_256, %dot_general3A_253 : vector<128x128xf32>
    %swap3A_258 = arith.constant 3200 : index
    %swap3A_259 = arith.constant 0 : index
    %swap3A_260 = vector.load %arg3[%swap3A_258, %swap3A_259] : memref<6400x128xf32, #tpu.memory_space<vmem>>, vector<128x128xf32>
    tpu.vector_store %arg3[%swap3A_258, %swap3A_259], %mul3A_257 {strides = array<i32>} : memref<6400x128xf32, #tpu.memory_space<vmem>>, vector<128x128xf32>,
    %slice3A_261 = vector.extract_strided_slice %get3A_4 {offsets = [26, 0], sizes = [1, 128], strides = [1, 1]} : vector<50x128xf32> to vector<1x128xf32>
    %dot_general3A_262 = arith.constant dense<0.000000e+00> : vector<128x128xf32>
    %dot_general3A_263 = tpu.matmul %slice3A_261, %broadcast_in_dim3A_0, %dot_general3A_262 {dimension_numbers = #tpu.dot_dimension_numbers<[0], [0], [1], [1], [0, 1, 1, 1], [], []>, transpose_lhs_hint = false} : vector<1x128xf32>, vector<1x128xf32>, vector<128x128xf32> -> vector<128x128xf32>
    %get3A_264 = arith.constant 3328 : index
    %get3A_265 = arith.constant 0 : index
    %get3A_266 = vector.load %arg1[%get3A_264, %get3A_265] : memref<6400x128xf32, #tpu.memory_space<vmem>>, vector<128x128xf32>
    %mul3A_267 = arith.mulf %get3A_266, %dot_general3A_263 : vector<128x128xf32>
    %swap3A_268 = arith.constant 3328 : index
    %swap3A_269 = arith.constant 0 : index
    %swap3A_270 = vector.load %arg3[%swap3A_268, %swap3A_269] : memref<6400x128xf32, #tpu.memory_space<vmem>>, vector<128x128xf32>
    tpu.vector_store %arg3[%swap3A_268, %swap3A_269], %mul3A_267 {strides = array<i32>} : memref<6400x128xf32, #tpu.memory_space<vmem>>, vector<128x128xf32>,
    %slice3A_271 = vector.extract_strided_slice %get3A_4 {offsets = [27, 0], sizes = [1, 128], strides = [1, 1]} : vector<50x128xf32> to vector<1x128xf32>
    %dot_general3A_272 = arith.constant dense<0.000000e+00> : vector<128x128xf32>
    %dot_general3A_273 = tpu.matmul %slice3A_271, %broadcast_in_dim3A_0, %dot_general3A_272 {dimension_numbers = #tpu.dot_dimension_numbers<[0], [0], [1], [1], [0, 1, 1, 1], [], []>, transpose_lhs_hint = false} : vector<1x128xf32>, vector<1x128xf32>, vector<128x128xf32> -> vector<128x128xf32>
    %get3A_274 = arith.constant 3456 : index
    %get3A_275 = arith.constant 0 : index
    %get3A_276 = vector.load %arg1[%get3A_274, %get3A_275] : memref<6400x128xf32, #tpu.memory_space<vmem>>, vector<128x128xf32>
    %mul3A_277 = arith.mulf %get3A_276, %dot_general3A_273 : vector<128x128xf32>
    %swap3A_278 = arith.constant 3456 : index
    %swap3A_279 = arith.constant 0 : index
    %swap3A_280 = vector.load %arg3[%swap3A_278, %swap3A_279] : memref<6400x128xf32, #tpu.memory_space<vmem>>, vector<128x128xf32>
    tpu.vector_store %arg3[%swap3A_278, %swap3A_279], %mul3A_277 {strides = array<i32>} : memref<6400x128xf32, #tpu.memory_space<vmem>>, vector<128x128xf32>,
    %slice3A_281 = vector.extract_strided_slice %get3A_4 {offsets = [28, 0], sizes = [1, 128], strides = [1, 1]} : vector<50x128xf32> to vector<1x128xf32>
    %dot_general3A_282 = arith.constant dense<0.000000e+00> : vector<128x128xf32>
    %dot_general3A_283 = tpu.matmul %slice3A_281, %broadcast_in_dim3A_0, %dot_general3A_282 {dimension_numbers = #tpu.dot_dimension_numbers<[0], [0], [1], [1], [0, 1, 1, 1], [], []>, transpose_lhs_hint = false} : vector<1x128xf32>, vector<1x128xf32>, vector<128x128xf32> -> vector<128x128xf32>
    %get3A_284 = arith.constant 3584 : index
    %get3A_285 = arith.constant 0 : index
    %get3A_286 = vector.load %arg1[%get3A_284, %get3A_285] : memref<6400x128xf32, #tpu.memory_space<vmem>>, vector<128x128xf32>
    %mul3A_287 = arith.mulf %get3A_286, %dot_general3A_283 : vector<128x128xf32>
    %swap3A_288 = arith.constant 3584 : index
    %swap3A_289 = arith.constant 0 : index
    %swap3A_290 = vector.load %arg3[%swap3A_288, %swap3A_289] : memref<6400x128xf32, #tpu.memory_space<vmem>>, vector<128x128xf32>
    tpu.vector_store %arg3[%swap3A_288, %swap3A_289], %mul3A_287 {strides = array<i32>} : memref<6400x128xf32, #tpu.memory_space<vmem>>, vector<128x128xf32>,
    %slice3A_291 = vector.extract_strided_slice %get3A_4 {offsets = [29, 0], sizes = [1, 128], strides = [1, 1]} : vector<50x128xf32> to vector<1x128xf32>
    %dot_general3A_292 = arith.constant dense<0.000000e+00> : vector<128x128xf32>
    %dot_general3A_293 = tpu.matmul %slice3A_291, %broadcast_in_dim3A_0, %dot_general3A_292 {dimension_numbers = #tpu.dot_dimension_numbers<[0], [0], [1], [1], [0, 1, 1, 1], [], []>, transpose_lhs_hint = false} : vector<1x128xf32>, vector<1x128xf32>, vector<128x128xf32> -> vector<128x128xf32>
    %get3A_294 = arith.constant 3712 : index
    %get3A_295 = arith.constant 0 : index
    %get3A_296 = vector.load %arg1[%get3A_294, %get3A_295] : memref<6400x128xf32, #tpu.memory_space<vmem>>, vector<128x128xf32>
    %mul3A_297 = arith.mulf %get3A_296, %dot_general3A_293 : vector<128x128xf32>
    %swap3A_298 = arith.constant 3712 : index
    %swap3A_299 = arith.constant 0 : index
    %swap3A_300 = vector.load %arg3[%swap3A_298, %swap3A_299] : memref<6400x128xf32, #tpu.memory_space<vmem>>, vector<128x128xf32>
    tpu.vector_store %arg3[%swap3A_298, %swap3A_299], %mul3A_297 {strides = array<i32>} : memref<6400x128xf32, #tpu.memory_space<vmem>>, vector<128x128xf32>,
    %slice3A_301 = vector.extract_strided_slice %get3A_4 {offsets = [30, 0], sizes = [1, 128], strides = [1, 1]} : vector<50x128xf32> to vector<1x128xf32>
    %dot_general3A_302 = arith.constant dense<0.000000e+00> : vector<128x128xf32>
    %dot_general3A_303 = tpu.matmul %slice3A_301, %broadcast_in_dim3A_0, %dot_general3A_302 {dimension_numbers = #tpu.dot_dimension_numbers<[0], [0], [1], [1], [0, 1, 1, 1], [], []>, transpose_lhs_hint = false} : vector<1x128xf32>, vector<1x128xf32>, vector<128x128xf32> -> vector<128x128xf32>
    %get3A_304 = arith.constant 3840 : index
    %get3A_305 = arith.constant 0 : index
    %get3A_306 = vector.load %arg1[%get3A_304, %get3A_305] : memref<6400x128xf32, #tpu.memory_space<vmem>>, vector<128x128xf32>
    %mul3A_307 = arith.mulf %get3A_306, %dot_general3A_303 : vector<128x128xf32>
    %swap3A_308 = arith.constant 3840 : index
    %swap3A_309 = arith.constant 0 : index
    %swap3A_310 = vector.load %arg3[%swap3A_308, %swap3A_309] : memref<6400x128xf32, #tpu.memory_space<vmem>>, vector<128x128xf32>
    tpu.vector_store %arg3[%swap3A_308, %swap3A_309], %mul3A_307 {strides = array<i32>} : memref<6400x128xf32, #tpu.memory_space<vmem>>, vector<128x128xf32>,
    %slice3A_311 = vector.extract_strided_slice %get3A_4 {offsets = [31, 0], sizes = [1, 128], strides = [1, 1]} : vector<50x128xf32> to vector<1x128xf32>
    %dot_general3A_312 = arith.constant dense<0.000000e+00> : vector<128x128xf32>
    %dot_general3A_313 = tpu.matmul %slice3A_311, %broadcast_in_dim3A_0, %dot_general3A_312 {dimension_numbers = #tpu.dot_dimension_numbers<[0], [0], [1], [1], [0, 1, 1, 1], [], []>, transpose_lhs_hint = false} : vector<1x128xf32>, vector<1x128xf32>, vector<128x128xf32> -> vector<128x128xf32>
    %get3A_314 = arith.constant 3968 : index
    %get3A_315 = arith.constant 0 : index
    %get3A_316 = vector.load %arg1[%get3A_314, %get3A_315] : memref<6400x128xf32, #tpu.memory_space<vmem>>, vector<128x128xf32>
    %mul3A_317 = arith.mulf %get3A_316, %dot_general3A_313 : vector<128x128xf32>
    %swap3A_318 = arith.constant 3968 : index
    %swap3A_319 = arith.constant 0 : index
    %swap3A_320 = vector.load %arg3[%swap3A_318, %swap3A_319] : memref<6400x128xf32, #tpu.memory_space<vmem>>, vector<128x128xf32>
    tpu.vector_store %arg3[%swap3A_318, %swap3A_319], %mul3A_317 {strides = array<i32>} : memref<6400x128xf32, #tpu.memory_space<vmem>>, vector<128x128xf32>,
    %slice3A_321 = vector.extract_strided_slice %get3A_4 {offsets = [32, 0], sizes = [1, 128], strides = [1, 1]} : vector<50x128xf32> to vector<1x128xf32>
    %dot_general3A_322 = arith.constant dense<0.000000e+00> : vector<128x128xf32>
    %dot_general3A_323 = tpu.matmul %slice3A_321, %broadcast_in_dim3A_0, %dot_general3A_322 {dimension_numbers = #tpu.dot_dimension_numbers<[0], [0], [1], [1], [0, 1, 1, 1], [], []>, transpose_lhs_hint = false} : vector<1x128xf32>, vector<1x128xf32>, vector<128x128xf32> -> vector<128x128xf32>
    %get3A_324 = arith.constant 4096 : index
    %get3A_325 = arith.constant 0 : index
    %get3A_326 = vector.load %arg1[%get3A_324, %get3A_325] : memref<6400x128xf32, #tpu.memory_space<vmem>>, vector<128x128xf32>
    %mul3A_327 = arith.mulf %get3A_326, %dot_general3A_323 : vector<128x128xf32>
    %swap3A_328 = arith.constant 4096 : index
    %swap3A_329 = arith.constant 0 : index
    %swap3A_330 = vector.load %arg3[%swap3A_328, %swap3A_329] : memref<6400x128xf32, #tpu.memory_space<vmem>>, vector<128x128xf32>
    tpu.vector_store %arg3[%swap3A_328, %swap3A_329], %mul3A_327 {strides = array<i32>} : memref<6400x128xf32, #tpu.memory_space<vmem>>, vector<128x128xf32>,
    %slice3A_331 = vector.extract_strided_slice %get3A_4 {offsets = [33, 0], sizes = [1, 128], strides = [1, 1]} : vector<50x128xf32> to vector<1x128xf32>
    %dot_general3A_332 = arith.constant dense<0.000000e+00> : vector<128x128xf32>
    %dot_general3A_333 = tpu.matmul %slice3A_331, %broadcast_in_dim3A_0, %dot_general3A_332 {dimension_numbers = #tpu.dot_dimension_numbers<[0], [0], [1], [1], [0, 1, 1, 1], [], []>, transpose_lhs_hint = false} : vector<1x128xf32>, vector<1x128xf32>, vector<128x128xf32> -> vector<128x128xf32>
    %get3A_334 = arith.constant 4224 : index
    %get3A_335 = arith.constant 0 : index
    %get3A_336 = vector.load %arg1[%get3A_334, %get3A_335] : memref<6400x128xf32, #tpu.memory_space<vmem>>, vector<128x128xf32>
    %mul3A_337 = arith.mulf %get3A_336, %dot_general3A_333 : vector<128x128xf32>
    %swap3A_338 = arith.constant 4224 : index
    %swap3A_339 = arith.constant 0 : index
    %swap3A_340 = vector.load %arg3[%swap3A_338, %swap3A_339] : memref<6400x128xf32, #tpu.memory_space<vmem>>, vector<128x128xf32>
    tpu.vector_store %arg3[%swap3A_338, %swap3A_339], %mul3A_337 {strides = array<i32>} : memref<6400x128xf32, #tpu.memory_space<vmem>>, vector<128x128xf32>,
    %slice3A_341 = vector.extract_strided_slice %get3A_4 {offsets = [34, 0], sizes = [1, 128], strides = [1, 1]} : vector<50x128xf32> to vector<1x128xf32>
    %dot_general3A_342 = arith.constant dense<0.000000e+00> : vector<128x128xf32>
    %dot_general3A_343 = tpu.matmul %slice3A_341, %broadcast_in_dim3A_0, %dot_general3A_342 {dimension_numbers = #tpu.dot_dimension_numbers<[0], [0], [1], [1], [0, 1, 1, 1], [], []>, transpose_lhs_hint = false} : vector<1x128xf32>, vector<1x128xf32>, vector<128x128xf32> -> vector<128x128xf32>
    %get3A_344 = arith.constant 4352 : index
    %get3A_345 = arith.constant 0 : index
    %get3A_346 = vector.load %arg1[%get3A_344, %get3A_345] : memref<6400x128xf32, #tpu.memory_space<vmem>>, vector<128x128xf32>
    %mul3A_347 = arith.mulf %get3A_346, %dot_general3A_343 : vector<128x128xf32>
    %swap3A_348 = arith.constant 4352 : index
    %swap3A_349 = arith.constant 0 : index
    %swap3A_350 = vector.load %arg3[%swap3A_348, %swap3A_349] : memref<6400x128xf32, #tpu.memory_space<vmem>>, vector<128x128xf32>
    tpu.vector_store %arg3[%swap3A_348, %swap3A_349], %mul3A_347 {strides = array<i32>} : memref<6400x128xf32, #tpu.memory_space<vmem>>, vector<128x128xf32>,
    %slice3A_351 = vector.extract_strided_slice %get3A_4 {offsets = [35, 0], sizes = [1, 128], strides = [1, 1]} : vector<50x128xf32> to vector<1x128xf32>
    %dot_general3A_352 = arith.constant dense<0.000000e+00> : vector<128x128xf32>
    %dot_general3A_353 = tpu.matmul %slice3A_351, %broadcast_in_dim3A_0, %dot_general3A_352 {dimension_numbers = #tpu.dot_dimension_numbers<[0], [0], [1], [1], [0, 1, 1, 1], [], []>, transpose_lhs_hint = false} : vector<1x128xf32>, vector<1x128xf32>, vector<128x128xf32> -> vector<128x128xf32>
    %get3A_354 = arith.constant 4480 : index
    %get3A_355 = arith.constant 0 : index
    %get3A_356 = vector.load %arg1[%get3A_354, %get3A_355] : memref<6400x128xf32, #tpu.memory_space<vmem>>, vector<128x128xf32>
    %mul3A_357 = arith.mulf %get3A_356, %dot_general3A_353 : vector<128x128xf32>
    %swap3A_358 = arith.constant 4480 : index
    %swap3A_359 = arith.constant 0 : index
    %swap3A_360 = vector.load %arg3[%swap3A_358, %swap3A_359] : memref<6400x128xf32, #tpu.memory_space<vmem>>, vector<128x128xf32>
    tpu.vector_store %arg3[%swap3A_358, %swap3A_359], %mul3A_357 {strides = array<i32>} : memref<6400x128xf32, #tpu.memory_space<vmem>>, vector<128x128xf32>,
    %slice3A_361 = vector.extract_strided_slice %get3A_4 {offsets = [36, 0], sizes = [1, 128], strides = [1, 1]} : vector<50x128xf32> to vector<1x128xf32>
    %dot_general3A_362 = arith.constant dense<0.000000e+00> : vector<128x128xf32>
    %dot_general3A_363 = tpu.matmul %slice3A_361, %broadcast_in_dim3A_0, %dot_general3A_362 {dimension_numbers = #tpu.dot_dimension_numbers<[0], [0], [1], [1], [0, 1, 1, 1], [], []>, transpose_lhs_hint = false} : vector<1x128xf32>, vector<1x128xf32>, vector<128x128xf32> -> vector<128x128xf32>
    %get3A_364 = arith.constant 4608 : index
    %get3A_365 = arith.constant 0 : index
    %get3A_366 = vector.load %arg1[%get3A_364, %get3A_365] : memref<6400x128xf32, #tpu.memory_space<vmem>>, vector<128x128xf32>
    %mul3A_367 = arith.mulf %get3A_366, %dot_general3A_363 : vector<128x128xf32>
    %swap3A_368 = arith.constant 4608 : index
    %swap3A_369 = arith.constant 0 : index
    %swap3A_370 = vector.load %arg3[%swap3A_368, %swap3A_369] : memref<6400x128xf32, #tpu.memory_space<vmem>>, vector<128x128xf32>
    tpu.vector_store %arg3[%swap3A_368, %swap3A_369], %mul3A_367 {strides = array<i32>} : memref<6400x128xf32, #tpu.memory_space<vmem>>, vector<128x128xf32>,
    %slice3A_371 = vector.extract_strided_slice %get3A_4 {offsets = [37, 0], sizes = [1, 128], strides = [1, 1]} : vector<50x128xf32> to vector<1x128xf32>
    %dot_general3A_372 = arith.constant dense<0.000000e+00> : vector<128x128xf32>
    %dot_general3A_373 = tpu.matmul %slice3A_371, %broadcast_in_dim3A_0, %dot_general3A_372 {dimension_numbers = #tpu.dot_dimension_numbers<[0], [0], [1], [1], [0, 1, 1, 1], [], []>, transpose_lhs_hint = false} : vector<1x128xf32>, vector<1x128xf32>, vector<128x128xf32> -> vector<128x128xf32>
    %get3A_374 = arith.constant 4736 : index
    %get3A_375 = arith.constant 0 : index
    %get3A_376 = vector.load %arg1[%get3A_374, %get3A_375] : memref<6400x128xf32, #tpu.memory_space<vmem>>, vector<128x128xf32>
    %mul3A_377 = arith.mulf %get3A_376, %dot_general3A_373 : vector<128x128xf32>
    %swap3A_378 = arith.constant 4736 : index
    %swap3A_379 = arith.constant 0 : index
    %swap3A_380 = vector.load %arg3[%swap3A_378, %swap3A_379] : memref<6400x128xf32, #tpu.memory_space<vmem>>, vector<128x128xf32>
    tpu.vector_store %arg3[%swap3A_378, %swap3A_379], %mul3A_377 {strides = array<i32>} : memref<6400x128xf32, #tpu.memory_space<vmem>>, vector<128x128xf32>,
    %slice3A_381 = vector.extract_strided_slice %get3A_4 {offsets = [38, 0], sizes = [1, 128], strides = [1, 1]} : vector<50x128xf32> to vector<1x128xf32>
    %dot_general3A_382 = arith.constant dense<0.000000e+00> : vector<128x128xf32>
    %dot_general3A_383 = tpu.matmul %slice3A_381, %broadcast_in_dim3A_0, %dot_general3A_382 {dimension_numbers = #tpu.dot_dimension_numbers<[0], [0], [1], [1], [0, 1, 1, 1], [], []>, transpose_lhs_hint = false} : vector<1x128xf32>, vector<1x128xf32>, vector<128x128xf32> -> vector<128x128xf32>
    %get3A_384 = arith.constant 4864 : index
    %get3A_385 = arith.constant 0 : index
    %get3A_386 = vector.load %arg1[%get3A_384, %get3A_385] : memref<6400x128xf32, #tpu.memory_space<vmem>>, vector<128x128xf32>
    %mul3A_387 = arith.mulf %get3A_386, %dot_general3A_383 : vector<128x128xf32>
    %swap3A_388 = arith.constant 4864 : index
    %swap3A_389 = arith.constant 0 : index
    %swap3A_390 = vector.load %arg3[%swap3A_388, %swap3A_389] : memref<6400x128xf32, #tpu.memory_space<vmem>>, vector<128x128xf32>
    tpu.vector_store %arg3[%swap3A_388, %swap3A_389], %mul3A_387 {strides = array<i32>} : memref<6400x128xf32, #tpu.memory_space<vmem>>, vector<128x128xf32>,
    %slice3A_391 = vector.extract_strided_slice %get3A_4 {offsets = [39, 0], sizes = [1, 128], strides = [1, 1]} : vector<50x128xf32> to vector<1x128xf32>
    %dot_general3A_392 = arith.constant dense<0.000000e+00> : vector<128x128xf32>
    %dot_general3A_393 = tpu.matmul %slice3A_391, %broadcast_in_dim3A_0, %dot_general3A_392 {dimension_numbers = #tpu.dot_dimension_numbers<[0], [0], [1], [1], [0, 1, 1, 1], [], []>, transpose_lhs_hint = false} : vector<1x128xf32>, vector<1x128xf32>, vector<128x128xf32> -> vector<128x128xf32>
    %get3A_394 = arith.constant 4992 : index
    %get3A_395 = arith.constant 0 : index
    %get3A_396 = vector.load %arg1[%get3A_394, %get3A_395] : memref<6400x128xf32, #tpu.memory_space<vmem>>, vector<128x128xf32>
    %mul3A_397 = arith.mulf %get3A_396, %dot_general3A_393 : vector<128x128xf32>
    %swap3A_398 = arith.constant 4992 : index
    %swap3A_399 = arith.constant 0 : index
    %swap3A_400 = vector.load %arg3[%swap3A_398, %swap3A_399] : memref<6400x128xf32, #tpu.memory_space<vmem>>, vector<128x128xf32>
    tpu.vector_store %arg3[%swap3A_398, %swap3A_399], %mul3A_397 {strides = array<i32>} : memref<6400x128xf32, #tpu.memory_space<vmem>>, vector<128x128xf32>,
    %slice3A_401 = vector.extract_strided_slice %get3A_4 {offsets = [40, 0], sizes = [1, 128], strides = [1, 1]} : vector<50x128xf32> to vector<1x128xf32>
    %dot_general3A_402 = arith.constant dense<0.000000e+00> : vector<128x128xf32>
    %dot_general3A_403 = tpu.matmul %slice3A_401, %broadcast_in_dim3A_0, %dot_general3A_402 {dimension_numbers = #tpu.dot_dimension_numbers<[0], [0], [1], [1], [0, 1, 1, 1], [], []>, transpose_lhs_hint = false} : vector<1x128xf32>, vector<1x128xf32>, vector<128x128xf32> -> vector<128x128xf32>
    %get3A_404 = arith.constant 5120 : index
    %get3A_405 = arith.constant 0 : index
    %get3A_406 = vector.load %arg1[%get3A_404, %get3A_405] : memref<6400x128xf32, #tpu.memory_space<vmem>>, vector<128x128xf32>
    %mul3A_407 = arith.mulf %get3A_406, %dot_general3A_403 : vector<128x128xf32>
    %swap3A_408 = arith.constant 5120 : index
    %swap3A_409 = arith.constant 0 : index
    %swap3A_410 = vector.load %arg3[%swap3A_408, %swap3A_409] : memref<6400x128xf32, #tpu.memory_space<vmem>>, vector<128x128xf32>
    tpu.vector_store %arg3[%swap3A_408, %swap3A_409], %mul3A_407 {strides = array<i32>} : memref<6400x128xf32, #tpu.memory_space<vmem>>, vector<128x128xf32>,
    %slice3A_411 = vector.extract_strided_slice %get3A_4 {offsets = [41, 0], sizes = [1, 128], strides = [1, 1]} : vector<50x128xf32> to vector<1x128xf32>
    %dot_general3A_412 = arith.constant dense<0.000000e+00> : vector<128x128xf32>
    %dot_general3A_413 = tpu.matmul %slice3A_411, %broadcast_in_dim3A_0, %dot_general3A_412 {dimension_numbers = #tpu.dot_dimension_numbers<[0], [0], [1], [1], [0, 1, 1, 1], [], []>, transpose_lhs_hint = false} : vector<1x128xf32>, vector<1x128xf32>, vector<128x128xf32> -> vector<128x128xf32>
    %get3A_414 = arith.constant 5248 : index
    %get3A_415 = arith.constant 0 : index
    %get3A_416 = vector.load %arg1[%get3A_414, %get3A_415] : memref<6400x128xf32, #tpu.memory_space<vmem>>, vector<128x128xf32>
    %mul3A_417 = arith.mulf %get3A_416, %dot_general3A_413 : vector<128x128xf32>
    %swap3A_418 = arith.constant 5248 : index
    %swap3A_419 = arith.constant 0 : index
    %swap3A_420 = vector.load %arg3[%swap3A_418, %swap3A_419] : memref<6400x128xf32, #tpu.memory_space<vmem>>, vector<128x128xf32>
    tpu.vector_store %arg3[%swap3A_418, %swap3A_419], %mul3A_417 {strides = array<i32>} : memref<6400x128xf32, #tpu.memory_space<vmem>>, vector<128x128xf32>,
    %slice3A_421 = vector.extract_strided_slice %get3A_4 {offsets = [42, 0], sizes = [1, 128], strides = [1, 1]} : vector<50x128xf32> to vector<1x128xf32>
    %dot_general3A_422 = arith.constant dense<0.000000e+00> : vector<128x128xf32>
    %dot_general3A_423 = tpu.matmul %slice3A_421, %broadcast_in_dim3A_0, %dot_general3A_422 {dimension_numbers = #tpu.dot_dimension_numbers<[0], [0], [1], [1], [0, 1, 1, 1], [], []>, transpose_lhs_hint = false} : vector<1x128xf32>, vector<1x128xf32>, vector<128x128xf32> -> vector<128x128xf32>
    %get3A_424 = arith.constant 5376 : index
    %get3A_425 = arith.constant 0 : index
    %get3A_426 = vector.load %arg1[%get3A_424, %get3A_425] : memref<6400x128xf32, #tpu.memory_space<vmem>>, vector<128x128xf32>
    %mul3A_427 = arith.mulf %get3A_426, %dot_general3A_423 : vector<128x128xf32>
    %swap3A_428 = arith.constant 5376 : index
    %swap3A_429 = arith.constant 0 : index
    %swap3A_430 = vector.load %arg3[%swap3A_428, %swap3A_429] : memref<6400x128xf32, #tpu.memory_space<vmem>>, vector<128x128xf32>
    tpu.vector_store %arg3[%swap3A_428, %swap3A_429], %mul3A_427 {strides = array<i32>} : memref<6400x128xf32, #tpu.memory_space<vmem>>, vector<128x128xf32>,
    %slice3A_431 = vector.extract_strided_slice %get3A_4 {offsets = [43, 0], sizes = [1, 128], strides = [1, 1]} : vector<50x128xf32> to vector<1x128xf32>
    %dot_general3A_432 = arith.constant dense<0.000000e+00> : vector<128x128xf32>
    %dot_general3A_433 = tpu.matmul %slice3A_431, %broadcast_in_dim3A_0, %dot_general3A_432 {dimension_numbers = #tpu.dot_dimension_numbers<[0], [0], [1], [1], [0, 1, 1, 1], [], []>, transpose_lhs_hint = false} : vector<1x128xf32>, vector<1x128xf32>, vector<128x128xf32> -> vector<128x128xf32>
    %get3A_434 = arith.constant 5504 : index
    %get3A_435 = arith.constant 0 : index
    %get3A_436 = vector.load %arg1[%get3A_434, %get3A_435] : memref<6400x128xf32, #tpu.memory_space<vmem>>, vector<128x128xf32>
    %mul3A_437 = arith.mulf %get3A_436, %dot_general3A_433 : vector<128x128xf32>
    %swap3A_438 = arith.constant 5504 : index
    %swap3A_439 = arith.constant 0 : index
    %swap3A_440 = vector.load %arg3[%swap3A_438, %swap3A_439] : memref<6400x128xf32, #tpu.memory_space<vmem>>, vector<128x128xf32>
    tpu.vector_store %arg3[%swap3A_438, %swap3A_439], %mul3A_437 {strides = array<i32>} : memref<6400x128xf32, #tpu.memory_space<vmem>>, vector<128x128xf32>,
    %slice3A_441 = vector.extract_strided_slice %get3A_4 {offsets = [44, 0], sizes = [1, 128], strides = [1, 1]} : vector<50x128xf32> to vector<1x128xf32>
    %dot_general3A_442 = arith.constant dense<0.000000e+00> : vector<128x128xf32>
    %dot_general3A_443 = tpu.matmul %slice3A_441, %broadcast_in_dim3A_0, %dot_general3A_442 {dimension_numbers = #tpu.dot_dimension_numbers<[0], [0], [1], [1], [0, 1, 1, 1], [], []>, transpose_lhs_hint = false} : vector<1x128xf32>, vector<1x128xf32>, vector<128x128xf32> -> vector<128x128xf32>
    %get3A_444 = arith.constant 5632 : index
    %get3A_445 = arith.constant 0 : index
    %get3A_446 = vector.load %arg1[%get3A_444, %get3A_445] : memref<6400x128xf32, #tpu.memory_space<vmem>>, vector<128x128xf32>
    %mul3A_447 = arith.mulf %get3A_446, %dot_general3A_443 : vector<128x128xf32>
    %swap3A_448 = arith.constant 5632 : index
    %swap3A_449 = arith.constant 0 : index
    %swap3A_450 = vector.load %arg3[%swap3A_448, %swap3A_449] : memref<6400x128xf32, #tpu.memory_space<vmem>>, vector<128x128xf32>
    tpu.vector_store %arg3[%swap3A_448, %swap3A_449], %mul3A_447 {strides = array<i32>} : memref<6400x128xf32, #tpu.memory_space<vmem>>, vector<128x128xf32>,
    %slice3A_451 = vector.extract_strided_slice %get3A_4 {offsets = [45, 0], sizes = [1, 128], strides = [1, 1]} : vector<50x128xf32> to vector<1x128xf32>
    %dot_general3A_452 = arith.constant dense<0.000000e+00> : vector<128x128xf32>
    %dot_general3A_453 = tpu.matmul %slice3A_451, %broadcast_in_dim3A_0, %dot_general3A_452 {dimension_numbers = #tpu.dot_dimension_numbers<[0], [0], [1], [1], [0, 1, 1, 1], [], []>, transpose_lhs_hint = false} : vector<1x128xf32>, vector<1x128xf32>, vector<128x128xf32> -> vector<128x128xf32>
    %get3A_454 = arith.constant 5760 : index
    %get3A_455 = arith.constant 0 : index
    %get3A_456 = vector.load %arg1[%get3A_454, %get3A_455] : memref<6400x128xf32, #tpu.memory_space<vmem>>, vector<128x128xf32>
    %mul3A_457 = arith.mulf %get3A_456, %dot_general3A_453 : vector<128x128xf32>
    %swap3A_458 = arith.constant 5760 : index
    %swap3A_459 = arith.constant 0 : index
    %swap3A_460 = vector.load %arg3[%swap3A_458, %swap3A_459] : memref<6400x128xf32, #tpu.memory_space<vmem>>, vector<128x128xf32>
    tpu.vector_store %arg3[%swap3A_458, %swap3A_459], %mul3A_457 {strides = array<i32>} : memref<6400x128xf32, #tpu.memory_space<vmem>>, vector<128x128xf32>,
    %slice3A_461 = vector.extract_strided_slice %get3A_4 {offsets = [46, 0], sizes = [1, 128], strides = [1, 1]} : vector<50x128xf32> to vector<1x128xf32>
    %dot_general3A_462 = arith.constant dense<0.000000e+00> : vector<128x128xf32>
    %dot_general3A_463 = tpu.matmul %slice3A_461, %broadcast_in_dim3A_0, %dot_general3A_462 {dimension_numbers = #tpu.dot_dimension_numbers<[0], [0], [1], [1], [0, 1, 1, 1], [], []>, transpose_lhs_hint = false} : vector<1x128xf32>, vector<1x128xf32>, vector<128x128xf32> -> vector<128x128xf32>
    %get3A_464 = arith.constant 5888 : index
    %get3A_465 = arith.constant 0 : index
    %get3A_466 = vector.load %arg1[%get3A_464, %get3A_465] : memref<6400x128xf32, #tpu.memory_space<vmem>>, vector<128x128xf32>
    %mul3A_467 = arith.mulf %get3A_466, %dot_general3A_463 : vector<128x128xf32>
    %swap3A_468 = arith.constant 5888 : index
    %swap3A_469 = arith.constant 0 : index
    %swap3A_470 = vector.load %arg3[%swap3A_468, %swap3A_469] : memref<6400x128xf32, #tpu.memory_space<vmem>>, vector<128x128xf32>
    tpu.vector_store %arg3[%swap3A_468, %swap3A_469], %mul3A_467 {strides = array<i32>} : memref<6400x128xf32, #tpu.memory_space<vmem>>, vector<128x128xf32>,
    %slice3A_471 = vector.extract_strided_slice %get3A_4 {offsets = [47, 0], sizes = [1, 128], strides = [1, 1]} : vector<50x128xf32> to vector<1x128xf32>
    %dot_general3A_472 = arith.constant dense<0.000000e+00> : vector<128x128xf32>
    %dot_general3A_473 = tpu.matmul %slice3A_471, %broadcast_in_dim3A_0, %dot_general3A_472 {dimension_numbers = #tpu.dot_dimension_numbers<[0], [0], [1], [1], [0, 1, 1, 1], [], []>, transpose_lhs_hint = false} : vector<1x128xf32>, vector<1x128xf32>, vector<128x128xf32> -> vector<128x128xf32>
    %get3A_474 = arith.constant 6016 : index
    %get3A_475 = arith.constant 0 : index
    %get3A_476 = vector.load %arg1[%get3A_474, %get3A_475] : memref<6400x128xf32, #tpu.memory_space<vmem>>, vector<128x128xf32>
    %mul3A_477 = arith.mulf %get3A_476, %dot_general3A_473 : vector<128x128xf32>
    %swap3A_478 = arith.constant 6016 : index
    %swap3A_479 = arith.constant 0 : index
    %swap3A_480 = vector.load %arg3[%swap3A_478, %swap3A_479] : memref<6400x128xf32, #tpu.memory_space<vmem>>, vector<128x128xf32>
    tpu.vector_store %arg3[%swap3A_478, %swap3A_479], %mul3A_477 {strides = array<i32>} : memref<6400x128xf32, #tpu.memory_space<vmem>>, vector<128x128xf32>,
    %slice3A_481 = vector.extract_strided_slice %get3A_4 {offsets = [48, 0], sizes = [1, 128], strides = [1, 1]} : vector<50x128xf32> to vector<1x128xf32>
    %dot_general3A_482 = arith.constant dense<0.000000e+00> : vector<128x128xf32>
    %dot_general3A_483 = tpu.matmul %slice3A_481, %broadcast_in_dim3A_0, %dot_general3A_482 {dimension_numbers = #tpu.dot_dimension_numbers<[0], [0], [1], [1], [0, 1, 1, 1], [], []>, transpose_lhs_hint = false} : vector<1x128xf32>, vector<1x128xf32>, vector<128x128xf32> -> vector<128x128xf32>
    %get3A_484 = arith.constant 6144 : index
    %get3A_485 = arith.constant 0 : index
    %get3A_486 = vector.load %arg1[%get3A_484, %get3A_485] : memref<6400x128xf32, #tpu.memory_space<vmem>>, vector<128x128xf32>
    %mul3A_487 = arith.mulf %get3A_486, %dot_general3A_483 : vector<128x128xf32>
    %swap3A_488 = arith.constant 6144 : index
    %swap3A_489 = arith.constant 0 : index
    %swap3A_490 = vector.load %arg3[%swap3A_488, %swap3A_489] : memref<6400x128xf32, #tpu.memory_space<vmem>>, vector<128x128xf32>
    tpu.vector_store %arg3[%swap3A_488, %swap3A_489], %mul3A_487 {strides = array<i32>} : memref<6400x128xf32, #tpu.memory_space<vmem>>, vector<128x128xf32>,
    %slice3A_491 = vector.extract_strided_slice %get3A_4 {offsets = [49, 0], sizes = [1, 128], strides = [1, 1]} : vector<50x128xf32> to vector<1x128xf32>
    %dot_general3A_492 = arith.constant dense<0.000000e+00> : vector<128x128xf32>
    %dot_general3A_493 = tpu.matmul %slice3A_491, %broadcast_in_dim3A_0, %dot_general3A_492 {dimension_numbers = #tpu.dot_dimension_numbers<[0], [0], [1], [1], [0, 1, 1, 1], [], []>, transpose_lhs_hint = false} : vector<1x128xf32>, vector<1x128xf32>, vector<128x128xf32> -> vector<128x128xf32>
    %get3A_494 = arith.constant 6272 : index
    %get3A_495 = arith.constant 0 : index
    %get3A_496 = vector.load %arg1[%get3A_494, %get3A_495] : memref<6400x128xf32, #tpu.memory_space<vmem>>, vector<128x128xf32>
    %mul3A_497 = arith.mulf %get3A_496, %dot_general3A_493 : vector<128x128xf32>
    %swap3A_498 = arith.constant 6272 : index
    %swap3A_499 = arith.constant 0 : index
    %swap3A_500 = vector.load %arg3[%swap3A_498, %swap3A_499] : memref<6400x128xf32, #tpu.memory_space<vmem>>, vector<128x128xf32>
    tpu.vector_store %arg3[%swap3A_498, %swap3A_499], %mul3A_497 {strides = array<i32>} : memref<6400x128xf32, #tpu.memory_space<vmem>>, vector<128x128xf32>,
    return
  }
  func.func @transform_0(%arg0: i32) -> (i32, i32) {
    %c0_i32 = arith.constant 0 : i32
    %c0_i32_0 = arith.constant 0 : i32
    return %arg0, %c0_i32 : i32, i32
  }
  func.func @transform_1(%arg0: i32) -> (i32, i32, i32) {
    %c0_i32 = arith.constant 0 : i32
    %c0_i32_0 = arith.constant 0 : i32
    %c0_i32_1 = arith.constant 0 : i32
    return %arg0, %c0_i32, %c0_i32_0 : i32, i32, i32
  }
  func.func @transform_2(%arg0: i32) -> (i32, i32) {
    %c0_i32 = arith.constant 0 : i32
    %c0_i32_0 = arith.constant 0 : i32
    return %arg0, %c0_i32 : i32, i32
  }
}

</mosaic_0001>

<sc_bundles>
// kernel: kernel.4.cloned.1.call-start
scs
__scs_entry_jumppad:
0x0: {  	(pc) =	sbr.rel $0x88, $3  }
0x1: {  	(tag) =	ssettag $0x0;
	lr =	simm.s32 $0x1  }
0x2: {  	[smem:$0x3F9F] =	sst lr;
	_ =	strace $0xD0000000  }
0x3: {  	_ = 	snop  }
0x4: {  	_ = 	snop  }
0x5: {  	_ = 	snop  }
0x6: {  	_ = 	snop  }
0x7: {  	_ = 	snop  }
__scs_overlays_trampoline_lowered:
0x8: {  	[smem:$0x3FAE] =	sst s0  }
0x9: {  	[smem:$0x3FAF] =	sst s1  }
0xa: {  	[smem:$0x3FB0] =	sst s2  }
0xb: {  	[smem:$0x3FB1] =	sst s3  }
0xc: {  	[smem:$0x3FB2] =	sst s4  }
0xd: {  	[smem:$0x3FB3] =	sst s5  }
0xe: {  	[smem:$0x3FB4] =	sst s6  }
0xf: {  	[smem:$0x3FB5] =	sst s7  }
0x10: {  	[smem:$0x3FB6] =	sst s8  }
0x11: {  	[smem:$0x3FB7] =	sst s9;
	s0 =	simm.s32 @!p0 $0x0  }
0x12: {  	s1 =	sld [smem:$0x3F9D];
	s0 =	simm.s32 @p0 $0x1  }
0x13: {  	[smem:$0x3FB8] =	sst s0;
	s0 =	simm.s32 @!p1 $0x0  }
0x14: {  	s2 =	sld [smem:$0x3F9C];
	s0 =	simm.s32 @p1 $0x1  }
0x15: {  	[smem:$0x3FB9] =	sst s0;
	s0 =	simm.s32 @!p2 $0x0  }
0x16: {  	s3 =	sld [smem:$0x3FDB];
	s0 =	simm.s32 @p2 $0x1  }
0x17: {  	s4 =	simm.s32 $0x1BF5;
	[smem:$0x3FBB] =	sst s0  }
0x18: {  	s0 =	sld [smem:$0x3F9E];
	_ =	swait.ge [sflag:s4], $0x0  }
0x19: {  	s7 =	sld [smem:$0x3F9F]  }
0x1a: {  	s8 =	sadd.s32 $0xFFFFE003, lr  }
0x1b: {  	s9 =	sadd.s32 $0xFFFFFEF7, lr;
	s5 =	simm.s32 $0xFFFFFFFF;
	p2 =	slt.u32 s8, $0xFFFFF086  }
0x1c: {  	p1 =	slt.u32 s9, $0xF7A;
	s5 =	simm.s32 @!p2 $0x0  }
0x1d: {  	s5 =	simm.s32 @p1 $0x1;
	p0 =	seq.s32 s7, s2  }
0x1e: {  	s7 =	smul.u32 @!p0 $0xF7A, s2;
	p2 =	seq.s32 @!p0 s5, $0x0  }
0x1f: {  	s9 =	smul.u32 $0xF7A, s1;
	s8 =	simm.s32 @!p0 $0x1BF5;
	p2 =	por !p2, p0  }
0x20: {  	[sflag:s8] =	ssyncset.s32 @!p0 $0xFFFFF086;
	s6 =	sadd.s32 @!p0 s3, s7;
	s7 =	simm.s32 @!p0 $0x108  }
0x21: {  	s3 =	sadd.s32 s3, s9;
	s6 =	sadd.s32 @!p0 $0x88, s6;
	s7 =	simm.s32 @p2 $0x1082  }
0x22: {  	[simem:s7], [sflag:s8] =	dma.local @!p0 [hbm:s6], $0xF7A  }
0x23: {  	s9 =	sor.u32 $0xD0000000, s2;
	s6 =	simm.s32 $0x108;
	_ =	swait.ge @!p0 [sflag:s8], $0x0  }
0x24: {  	s3 =	sadd.s32 $0x88, s3;
	s6 =	simm.s32 @!p1 $0x1082;
	[sflag:s4] =	ssyncset.s32 $0xFFFFF086  }
0x25: {  	[simem:s6], [sflag:s4] =	dma.local [hbm:s3], $0xF7A  }
0x26: {  	[smem:$0x3F9F] =	sst s1;
	(tag) =	ssettag s2;
	_ =	strace s9  }
0x27: {  	s1 =	sld [smem:$0x3FAF]  }
0x28: {  	s2 =	sld [smem:$0x3FB0]  }
0x29: {  	s4 =	sld [smem:$0x3FB2]  }
0x2a: {  	p0 =	seq.s32 s5, $0x0;
	s5 =	sld [smem:$0x3FB3]  }
0x2b: {  	s6 =	sld [smem:$0x3FB4]  }
0x2c: {  	s7 =	sld [smem:$0x3FB5]  }
0x2d: {  	s3 =	simm.s32 $0x108;
	s8 =	sld [smem:$0x3FB6]  }
0x2e: {  	s3 =	simm.s32 @!p0 $0x1082;
	s9 =	sld [smem:$0x3FB7]  }
0x2f: {  	lr =	sadd.s32 s0, s3;
	s0 =	sld [smem:$0x3FAE]  }
0x30: {  	s3 =	sld [smem:$0x3FB1]  }
0x31: {  	[smem:$0x3FBA] =	sst s10  }
0x32: {  	s10 =	sld [smem:$0x3FB8];
	_ =	sdelay $0x3  }
0x33: {  	p0 =	seq.s32 s10, $0x1;
	s10 =	sld [smem:$0x3FBA];
	_ =	sdelay $0x3  }
0x34: {  	[smem:$0x3FBA] =	sst s10  }
0x35: {  	s10 =	sld [smem:$0x3FB9];
	_ =	sdelay $0x3  }
0x36: {  	p1 =	seq.s32 s10, $0x1;
	s10 =	sld [smem:$0x3FBA];
	_ =	sdelay $0x3  }
0x37: {  	[smem:$0x3FBA] =	sst s10  }
0x38: {  	s10 =	sld [smem:$0x3FBB]  }
0x39: {  	_ = 	snop;
	(pc) =	sbr.ind lr, $3  }
0x3a: {  	_ = 	snop  }
0x3b: {  	_ = 	snop  }
0x3c: {  	p2 =	seq.s32 s10, $0x1;
	s10 =	sld [smem:$0x3FBA]  }
0x3d: {  	_ =	shalt  }
0x3e: {  	_ =	shalt  }
0x3f: {  	_ =	shalt  }
0x40: {  	_ =	shalt  }
0x41: {  	_ =	shalt  }
0x42: {  	_ =	shalt  }
0x43: {  	_ =	shalt  }
0x44: {  	_ =	shalt  }
0x45: {  	_ =	shalt  }
0x46: {  	_ =	shalt  }
0x47: {  	_ =	shalt  }
0x48: {  	_ =	shalt  }
0x49: {  	_ =	shalt  }
0x4a: {  	_ =	shalt  }
0x4b: {  	_ =	shalt  }
0x4c: {  	_ =	shalt  }
0x4d: {  	_ =	shalt  }
0x4e: {  	_ =	shalt  }
0x4f: {  	_ =	shalt  }
0x50: {  	_ =	shalt  }
0x51: {  	_ =	shalt  }
0x52: {  	_ =	shalt  }
0x53: {  	_ =	shalt  }
0x54: {  	_ =	shalt  }
0x55: {  	_ =	shalt  }
0x56: {  	_ =	shalt  }
0x57: {  	_ =	shalt  }
0x58: {  	_ =	shalt  }
0x59: {  	_ =	shalt  }
0x5a: {  	_ =	shalt  }
0x5b: {  	_ =	shalt  }
0x5c: {  	_ =	shalt  }
0x5d: {  	_ =	shalt  }
0x5e: {  	_ =	shalt  }
0x5f: {  	_ =	shalt  }
0x60: {  	_ =	shalt  }
0x61: {  	_ =	shalt  }
0x62: {  	_ =	shalt  }
0x63: {  	_ =	shalt  }
0x64: {  	_ =	shalt  }
0x65: {  	_ =	shalt  }
0x66: {  	_ =	shalt  }
0x67: {  	_ =	shalt  }
0x68: {  	_ =	shalt  }
0x69: {  	_ =	shalt  }
0x6a: {  	_ =	shalt  }
0x6b: {  	_ =	shalt  }
0x6c: {  	_ =	shalt  }
0x6d: {  	_ =	shalt  }
0x6e: {  	_ =	shalt  }
0x6f: {  	_ =	shalt  }
0x70: {  	_ =	shalt  }
0x71: {  	_ =	shalt  }
0x72: {  	_ =	shalt  }
0x73: {  	_ =	shalt  }
0x74: {  	_ =	shalt  }
0x75: {  	_ =	shalt  }
0x76: {  	_ =	shalt  }
0x77: {  	_ =	shalt  }
0x78: {  	_ =	shalt  }
0x79: {  	_ =	shalt  }
0x7a: {  	_ =	shalt  }
0x7b: {  	_ =	shalt  }
0x7c: {  	_ =	shalt  }
0x7d: {  	_ =	shalt  }
0x7e: {  	_ =	shalt  }
0x7f: {  	_ =	shalt  }
0x80: {  	_ =	shalt  }
0x81: {  	_ =	shalt  }
0x82: {  	_ =	shalt  }
0x83: {  	_ =	shalt  }
0x84: {  	_ =	shalt  }
0x85: {  	_ =	shalt  }
0x86: {  	_ =	shalt  }
0x87: {  	_ =	shalt  }
.Lfunc_end0:
.L_simem_size_0:
called_computation_lowered:
.L_overlay_start_0:
0x88: {  	s2 =	sld [smem:$0x3FD9]  }
0x89: {  	s3 =	sld [smem:$0x3FFE];
	_ =	sdelay $0x1  }
0x8a: {  	s1 =	srdreg.scid  }
0x8b: {  	s0 =	sand.u32 $0x1, s1  }
0x8c: {  	s17 =	sshll.u32 s0, $0xA;
	s2 =	sadd.s32 s3, s2  }
0x8d: {  	s2 =	sadd.s32 s2, s17  }
0x8e: {  	[smem:$0x3FC6] =	sst s2  }
0x8f: {  	_ = 	snop  }
0x90: {  	s2 =	sld [smem:$0x3FC9]  }
0x91: {  	s18 =	sld [smem:$0x3FD0];
	(tm) =	ssettm $0x1  }
0x92: {  	s4 =	sld [smem:$0x3FFB];
	_ =	sdelay $0x3  }
0x93: {  	_ =	strace s4  }
0x94: {  	s4 =	sld [smem:$0x3FFC];
	_ =	sdelay $0x3  }
0x95: {  	_ =	strace s4  }
0x96: {  	s4 =	sld [smem:$0x3FFD];
	_ =	sdelay $0x3  }
0x97: {  	_ =	strace s4  }
0x98: {  	_ =	strace $0x8FFFFFFF  }
0x99: {  	s19 =	sld [smem:$0x3FDB];
	_ =	sdelay $0x1  }
0x9a: {  	s5 =	simm.s32 $_scs_section_size  }
0x9b: {  	s6 =	simm.s32 $_size__tile_overlayer_lowered;
	s7 =	simm.s32 $_tile_overlayer_lowered  }
0x9c: {  	s22 =	simm.s32 $0x1BFF;
	s21 =	sshll.u32 s7, $0x1;
	s4 =	sadd.s32 s5, s19  }
0x9d: {  	s8 =	simm.s32 $0x0;
	s20 =	sshll.u32 s6, $0x1;
	s6 =	sadd.s32 s21, s4  }
0x9e: {  	[timem:s8], [sflag:s22] =	dma.local [hbm:s6], s20  }
0x9f: {  	_ =	swait.ge [sflag:s22], s20  }
0xa0: {  	s5 =	ssub.s32 $0x0, s20;
	[sflag:s22] =	ssyncset.done $0x0  }
0xa1: {  	[sflag:s22] =	ssyncadd.s32 s5;
	_ =	sdelay $0x1  }
0xa2: {  	s23 =	simm.s32 $0x1B8B  }
0xa3: {  	_ =	swait.ge [sflag:s23], $0x1  }
0xa4: {  	[sflag:s23] =	ssyncset.done $0x0  }
0xa5: {  	s25 =	simm.s32 $0x1B8E;
	s24 =	sld [smem:$0x3FFE];
	[sflag:s23] =	ssyncadd.s32 $0xFFFFFFFF  }
0xa6: {  	s26 =	simm.s32 $execute0_lowered;
	[smem:$0x3FD2] =	sst s25  }
0xa7: {  	s6 =	sshll.u32 s26, $0x1;
	_ =	strace $0x80000046;
	[dreg:$0x1] =	wrdreg $0xFFFFFFFF  }
0xa8: {  	s28 =	simm.s32 $_size_execute0_lowered;
	s4 =	sadd.s32 s4, s6;
	[dreg:$0x0] =	wrdreg $0x0  }
0xa9: {  	s6 =	sshll.u32 s28, $0x1;
	[dreg:$0x2] =	wrdreg s4  }
0xaa: {  	[dreg:$0x3] =	wrdreg s6  }
0xab: {  	[dreg:$0x4] =	wrdreg $0xC0  }
0xac: {  	_ =	task [dreg:s8], $0x5FFFF  }
0xad: {  	[dreg:$0x1] =	wrdreg $0xFFFFFFFF  }
0xae: {  	[dreg:$0x0] =	wrdreg $0x60  }
0xaf: {  	[dreg:$0x2] =	wrdreg s2  }
0xb0: {  	[dreg:$0x3] =	wrdreg s24  }
0xb1: {  	[dreg:$0x4] =	wrdreg s18  }
0xb2: {  	[dreg:$0x5] =	wrdreg $0xC7000  }
0xb3: {  	[dreg:$0x6] =	wrdreg $0x9  }
0xb4: {  	_ =	task.clear_ibuf [dreg:s8], $0x7FFFF;
	_ =	strace $0x90000046  }
0xb5: {  	s29 =	simm.s32 $0x9;
	_ =	strace $0x80000048  }
0xb6: {  	_ =	swait.ge [sflag:s29], $0x1  }
0xb7: {  	[sflag:s29] =	ssyncadd.s32 $0xFFFFFFFF  }
0xb8: {  	_ =	strace $0x90000048  }
0xb9: {  	_ =	sfence  }
0xba: {  	s30 =	sld [smem:$0x0];
	_ =	sdelay $0x2  }
0xbb: {  	s31 =	sshll.u32 s1, $0xD;
	s1 =	sshrl.u32 s1, $0x2  }
0xbc: {  	s3 =	sand.u32 $0x4000, s31;
	s1 =	sadd.s32 s1, s30  }
0xbd: {  	s0 =	sor.u32 s3, s0;
	s1 =	sshll.u32 s1, $0x11  }
0xbe: {  	s0 =	sor.u32 s1, s0  }
0xbf: {  	s0 =	sadd.s32 $0x8F2B, s0  }
0xc0: {  	[sflag:s0] =	ssyncadd.remote.s32 $0x1  }
0xc1: {  	_ =	sfence.sel $0xFFFF  }
0xc2: {  	[dreg:$0x0] =	wrdreg $0xFFFFFFFF;
	(pc) =	sbr.abs _section_cstart, $3  }
0xc3: {  	[dreg:$0x1] =	wrdreg $0xFFFFFFFF  }
0xc4: {  	_ =	task.clear_ibuf [dreg:s8], $0x2FFFF;
	_ =	strace $0x9FFFFFFF  }
0xc5: {  	(tm) =	ssettm $0x7FFFFFFF  }
tec
execute0_lowered:
.L_overlay_start_1:
0x0: {  	(tag) =	ssettag $0x1  }
0x1: {  	s6 =	rddreg [dreg:$0x0]  }
0x2: {  	s5 =	rddreg [dreg:$0x1]  }
0x3: {  	s8 =	rddreg [dreg:$0x2]  }
0x4: {  	s2 =	rddreg [dreg:$0x3]  }
0x5: {  	s0 =	rddreg [dreg:$0x4]  }
0x6: {  	s4 =	srdreg.scid;
	s1 =	stileid.u32  }
0x7: {  	s3 =	simm.s32 $0x0;
	s12 =	simm.s32 $0x9D00;
	s13 =	simm.s32 $0x4E20  }
0x8: {  	s14 =	simm.s32 $0x2710;
	s15 =	simm.s32 $0x9F80;
	s7 =	smul.u32 $0x4E20, s1  }
0x9: {  	s16 =	simm.s32 $0x1;
	s4 =	sand.u32 $0x1, s4;
	s11 =	smul.u32 $0xA00, s1  }
0xa: {  	[smem:$0x7FF] =	sst s3;
	s9 =	ssub.s32 $0x2, s4;
	s4 =	smul.u32 $0x2710, s4  }
0xb: {  	s17 =	simm.s32 $0x0;
	s5 =	sadd.s32 $0x400, s5;
	_ =	strace $0x80000047  }
0xc: {  	s10 =	sshrl.u32 s9, $0x1;
	s11 =	sshrl.u32 s11, $0x2;
	s31 =	sadd.s32 s4, s7  }
0xd: {  	s9 =	ssub.s32 s9, s10;
	s7 =	sshrl.u32 s7, $0x3;
	s10 =	sshrl.u32 s31, $0x3  }
0xe: {  	s6 =	sadd.s32 s6, s7;
	s7 =	sadd.s32 s11, s2;
	s9 =	smax.u32 s9, $0x1  }
0xf: {  	v0 =	vimm.f32 $0.0e+00;
	s11 =	simm.s32 $0x4E80;
	s8 =	sadd.s32 s8, s10;
	s10 =	simm.s32 $0x2  }
.LBB2_1:
0x10: {  	[tilespmem:s3], [sflag:$0x2] =	stream.linear.gather [hbm4b:s6+s3], $0x4E20, $0x38;
	[tilespmem:$0xC980] =	vst v63  }
0x11: {  	_ =	swait.ge [sflag:s10], $0x4E20  }
0x12: {  	[sflag:s10] =	ssyncset.done $0x0  }
0x13: {  	[sflag:s10] =	ssyncadd.s32 $0xFFFFB1E0  }
0x14: {  	[tilespmem:s11], [sflag:$0x2] =	stream.linear.gather [hbm4b:s5+s3], $0x4E80, $0x38;
	[tilespmem:$0xC980] =	vst v63  }
0x15: {  	_ =	swait.ge [sflag:s10], $0x4E80  }
0x16: {  	[sflag:s10] =	ssyncset.done $0x0  }
0x17: {  	[sflag:s10] =	ssyncadd.s32 $0xFFFFB180  }
0x18: {  	[tilespmem:$0x9D00] =	vst v0  }
0x19: {  	[tilespmem:$0x9D10] =	vst v0  }
0x1a: {  	[tilespmem:$0x9D20] =	vst v0  }
0x1b: {  	[tilespmem:$0x9D30] =	vst v0  }
0x1c: {  	[tilespmem:$0x9D40] =	vst v0  }
0x1d: {  	[tilespmem:$0x9D50] =	vst v0  }
0x1e: {  	[tilespmem:$0x9D60] =	vst v0  }
0x1f: {  	[tilespmem:$0x9D70] =	vst v0  }
0x20: {  	[tilespmem:$0x9D80] =	vst v0  }
0x21: {  	[tilespmem:$0x9D90] =	vst v0  }
0x22: {  	[tilespmem:$0x9DA0] =	vst v0  }
0x23: {  	[tilespmem:$0x9DB0] =	vst v0  }
0x24: {  	[tilespmem:$0x9DC0] =	vst v0  }
0x25: {  	[tilespmem:$0x9DD0] =	vst v0  }
0x26: {  	[tilespmem:$0x9DE0] =	vst v0  }
0x27: {  	[tilespmem:$0x9DF0] =	vst v0  }
0x28: {  	[tilespmem:$0x9E00] =	vst v0  }
0x29: {  	[tilespmem:$0x9E10] =	vst v0  }
0x2a: {  	[tilespmem:$0x9E20] =	vst v0  }
0x2b: {  	[tilespmem:$0x9E30] =	vst v0  }
0x2c: {  	[tilespmem:$0x9E40] =	vst v0  }
0x2d: {  	[tilespmem:$0x9E50] =	vst v0  }
0x2e: {  	[tilespmem:$0x9E60] =	vst v0  }
0x2f: {  	[tilespmem:$0x9E70] =	vst v0  }
0x30: {  	[tilespmem:$0x9E80] =	vst v0  }
0x31: {  	[tilespmem:$0x9E90] =	vst v0  }
0x32: {  	[tilespmem:$0x9EA0] =	vst v0  }
0x33: {  	[tilespmem:$0x9EB0] =	vst v0  }
0x34: {  	[tilespmem:$0x9EC0] =	vst v0  }
0x35: {  	[tilespmem:$0x9ED0] =	vst v0  }
0x36: {  	[tilespmem:$0x9EE0] =	vst v0  }
0x37: {  	[tilespmem:$0x9EF0] =	vst v0  }
0x38: {  	[tilespmem:$0x9F00] =	vst v0  }
0x39: {  	[tilespmem:$0x9F10] =	vst v0  }
0x3a: {  	[tilespmem:$0x9F20] =	vst v0  }
0x3b: {  	[tilespmem:$0x9F30] =	vst v0  }
0x3c: {  	[tilespmem:$0x9F40] =	vst v0  }
0x3d: {  	[tilespmem:$0x9F50] =	vst v0  }
0x3e: {  	[tilespmem:$0x9F60] =	vst v0  }
0x3f: {  	[tilespmem:$0x9F70] =	vst v0  }
0x40: {  	[spmem:s7] =	stream.linear.scatter [tilespmem:s12], [sflag:$0x2], $0x280, $0x38;
	[tilespmem:$0xC980] =	vst v63  }
0x41: {  	_ =	swait.ge [sflag:s10], $0x280  }
0x42: {  	[sflag:s10] =	ssyncset.done $0x0  }
0x43: {  	[sflag:s10] =	ssyncadd.s32 $0xFFFFFD80  }
0x44: {  	[bflag:$0x0] =	sbarrier.arrive $0xFFFF  }
0x45: {  	[spmem:s2] =	stream.indirect.scatter.add.f32 [tilespmem:s11], [sflag:$0x2], $0x1, s3, s13, $0xb8;
	[tilespmem:$0xC980] =	vst v63  }
0x46: {  	_ =	swait.ge [sflag:s10], $0x4E20  }
0x47: {  	[sflag:s10] =	ssyncset.done $0x0  }
0x48: {  	[sflag:s10] =	ssyncadd.s32 $0xFFFFB1E0  }
0x49: {  	[bflag:$0x0] =	sbarrier.arrive $0xFFFF  }
0x4a: {  	[tilespmem:s12], [sflag:$0x2] =	stream.linear.gather [spmem:s7], $0x280, $0x38;
	[tilespmem:$0xC980] =	vst v63  }
0x4b: {  	_ =	swait.ge [sflag:s10], $0x280  }
0x4c: {  	[sflag:s10] =	ssyncset.done $0x0  }
0x4d: {  	s18 =	simm.s32 $0x0;
	s19 =	simm.s32 $0x40;
	[sflag:s10] =	ssyncadd.s32 $0xFFFFFD80  }
.LBB2_2:
0x4e: {  	p0 =	sne.s32 s19, $0x9C0;
	v1 =	vld [tilespmem:s18+$0x9D00];
	_ =	sdelay $0x4  }
0x4f: {  	(erf) = vrcp.f32 v1;
	_ =	sdelay $0x5  }
.Ltmp0:
0x50: {  	(pc) =	sbr.rel @p0 .LBB2_2-.Ltmp0, $3  }
0x51: {  	_ =	sdelay $0x1  }
0x52: {  	v1 =	vpop (erf)  }
0x53: {  	[tilespmem:s18+$0x9D00] =	vst v1;
	s18 =	sshra.s32 s19, $0x2;
	s19 =	sadd.s32 $0x40, s19  }
0x54: {  	v1 =	vld [tilespmem:s18+$0x9D00];
	_ =	sdelay $0x4  }
0x55: {  	(erf) = vrcp.f32 v1;
	_ =	sdelay $0x8  }
0x56: {  	v1 =	vpop (erf)  }
0x57: {  	[tilespmem:s18+$0x9D00] =	vst v1  }
0x58: {  	[spmem:s7] =	stream.linear.scatter [tilespmem:s12], [sflag:$0x2], $0x280, $0x38;
	[tilespmem:$0xC980] =	vst v63  }
0x59: {  	_ =	swait.ge [sflag:s10], $0x280  }
0x5a: {  	[sflag:s10] =	ssyncset.done $0x0  }
0x5b: {  	[sflag:s10] =	ssyncadd.s32 $0xFFFFFD80  }
0x5c: {  	[bflag:$0x0] =	sbarrier.arrive $0xFFFF  }
0x5d: {  	[tilespmem:s15], [sflag:$0x1] =	stream.indirect.gather [spmem:s2], $0x1, s4, s14, $0xb8;
	[tilespmem:$0xC980] =	vst v63  }
0x5e: {  	s17 =	sadd.s32 $0x1, s17;
	_ =	swait.ge [sflag:s16], $0x2710  }
0x5f: {  	p0 =	sne.s32 s17, s9;
	[sflag:s16] =	ssyncset.done $0x0  }
.Ltmp1:
0x60: {  	[sflag:s16] =	ssyncadd.s32 $0xFFFFD8F0;
	(pc) =	sbr.rel @p0 .LBB2_1-.Ltmp1, $4  }
0x61: {  	[hbm4b:s8+s3] =	stream.linear.scatter [tilespmem:s15], [sflag:$0x2], $0x2710, $0x38;
	[tilespmem:$0xC980] =	vst v63  }
0x62: {  	_ =	swait.ge [sflag:s10], $0x2710  }
0x63: {  	[sflag:s10] =	ssyncset.done $0x0  }
0x64: {  	[sflag:s10] =	ssyncadd.s32 $0xFFFFD8F0  }
0x65: {  	_ =	sfence.sel $0x180000  }
0x66: {  	[bflag:$0x0] =	sbarrier.arrive $0xFFFF  }
0x67: {  	p0 =	sne.s32 s1, $0x0;
	_ =	strace $0x90000047  }
0x68: {  	s0 =	sadd.s32 @!p0 $0x100000, s0;
	[bflag:$0x2] =	sbarrier.arrive $0xFFFF  }
0x69: {  	[sflag:s0] =	ssyncadd.tile.s32 @!p0 $0x1;
	_ =	shalt  }
.Lfunc_end2:
_tile_overlayer_lowered:
.L_overlay_start_2:
0x6a: {  	(tag) =	ssettag $0x2  }
0x6b: {  	s0 =	rddreg [dreg:$0x0];
	s2 =	stileid.u32  }
0x6c: {  	s1 =	rddreg [dreg:$0x1];
	p0 =	sne.s32 s2, $0x0  }
0x6d: {  	s3 =	rddreg [dreg:$0x2];
	[bflag:$0x3] =	sbarrier.arrive $0xFFFF;
	s2 =	simm.s32 @!p0 $0x1C02  }
0x6e: {  	[timem:s3], [sflag:s2] =	dma.local @!p0 [hbm:s0], s1  }
0x6f: {  	s0 =	simm.s32 @!p0 $0x2  }
0x70: {  	_ =	swait.ge @!p0 [sflag:s0], s1  }
0x71: {  	s1 =	ssub.s32 @!p0 $0x0, s1;
	[sflag:s0] =	ssyncset.done @!p0 $0x0  }
0x72: {  	[sflag:s0] =	ssyncadd.s32 @!p0 s1  }
0x73: {  	[bflag:$0x3] =	sbarrier.arrive $0xFFFF  }
0x74: {  	_ =	shalt  }

</sc_bundles>
